<compile_context>
chip_gen: v7x
topology: tpu7x:2x2x1
jax: 0.10.2.dev20260603
libtpu: 0.0.44.dev20260713+nightly
codegen_flags: <defaults>
</compile_context>

<pallas_src>
import functools

import jax
import jax.numpy as jnp
from jax import lax
from jax.experimental import pallas as pl
from jax.experimental.pallas import tpu as pltpu
from jax.experimental.pallas import tpu_sc as plsc

B, M, W, IN = 8, 100000, 32, 128
K = 4
R = K + 1
IF = 2 * W + R + 1

BM = 2048
NB = (M + BM - 1) // BM
SUB = BM // 128


def _tc_body(xi_ref, wif_ref, bif_ref, rwin_ref, rvin_ref, lum_ref, sparse_ref,
             pos_ref, rwout_ref, nrv_ref,
             itf_s, t0, t1, t2, t3, i0, i1, i2, i3):
    b = pl.program_id(0)
    j = pl.program_id(1)

    @pl.when((b == 0) & (j == 0))
    def _prologue():
        itf = jnp.dot(xi_ref[...], wif_ref[...],
                      preferred_element_type=jnp.float32) + bif_ref[...]
        itf_s[:, :IF] = itf
        wv = itf[:, W:2 * W]
        ig = itf[:, 2 * W:2 * W + R]
        wg = 1.0 / (1.0 + jnp.exp(-itf[:, IF - 1:IF]))
        ww = wg * (ig * rwin_ref[:, 0, :] + (1.0 - ig))
        nrv_ref[...] = rvin_ref[...] + ww[:, :, None] * wv[:, None, :]

    @pl.when(j == 0)
    def _reset():
        inf = jnp.full((SUB, 128), jnp.inf, jnp.float32)
        zero = jnp.zeros((SUB, 128), jnp.int32)
        t0[...] = inf
        t1[...] = inf
        t2[...] = inf
        t3[...] = inf
        i0[...] = zero
        i1[...] = zero
        i2[...] = zero
        i3[...] = zero

    s3 = sparse_ref[0].reshape(SUB, 128, W)
    q = itf_s[b, 0:W]
    v = jnp.sum(s3 * (s3 - 2.0 * q[None, None, :]), axis=-1)
    rowid = (j * BM
             + lax.broadcasted_iota(jnp.int32, (SUB, 128), 0) * 128
             + lax.broadcasted_iota(jnp.int32, (SUB, 128), 1))
    v = jnp.where(rowid < M, v, jnp.inf)

    a0, a1, a2, a3 = t0[...], t1[...], t2[...], t3[...]
    b0, b1, b2, b3 = i0[...], i1[...], i2[...], i3[...]
    c0 = v < a0
    c1 = v < a1
    c2 = v < a2
    c3 = v < a3
    t3[...] = jnp.where(c2, a2, jnp.where(c3, v, a3))
    i3[...] = jnp.where(c2, b2, jnp.where(c3, rowid, b3))
    t2[...] = jnp.where(c1, a1, jnp.where(c2, v, a2))
    i2[...] = jnp.where(c1, b1, jnp.where(c2, rowid, b2))
    t1[...] = jnp.where(c0, a0, jnp.where(c1, v, a1))
    i1[...] = jnp.where(c0, b0, jnp.where(c1, rowid, b1))
    t0[...] = jnp.where(c0, v, a0)
    i0[...] = jnp.where(c0, rowid, b0)

    @pl.when(j == NB - 1)
    def _finalize():
        a0, a1, a2, a3 = t0[...], t1[...], t2[...], t3[...]
        b0, b1, b2, b3 = i0[...], i1[...], i2[...], i3[...]
        big = jnp.int32(2**31 - 1)
        vals = []
        gids = []
        for _ in range(K):
            m = jnp.minimum(jnp.minimum(a0, a1), jnp.minimum(a2, a3))
            mn = jnp.min(m)
            g = jnp.minimum(
                jnp.minimum(jnp.min(jnp.where(a0 == mn, b0, big)),
                            jnp.min(jnp.where(a1 == mn, b1, big))),
                jnp.minimum(jnp.min(jnp.where(a2 == mn, b2, big)),
                            jnp.min(jnp.where(a3 == mn, b3, big))))
            vals.append(mn)
            gids.append(g)
            a0 = jnp.where(b0 == g, jnp.inf, a0)
            a1 = jnp.where(b1 == g, jnp.inf, a1)
            a2 = jnp.where(b2 == g, jnp.inf, a2)
            a3 = jnp.where(b3 == g, jnp.inf, a3)
        qf = itf_s[b, 0:W]
        qq = jnp.sum(qf * qf)
        lane = lax.broadcasted_iota(jnp.int32, (1, 128), 1)
        dv = jnp.zeros((1, 128), jnp.float32)
        for k in range(K):
            dv = jnp.where(lane == k, vals[k] + qq, dv)
        dv = jnp.sqrt(jnp.maximum(dv, 0.0))
        dv = jnp.where(lane < K, dv, 0.0)
        nrm = jnp.maximum(jnp.max(dv), 1e-8)
        rwout_ref[0] = (dv / nrm)[:, :R]
        for k in range(K):
            pos_ref[b, k] = gids[k]
        pos_ref[b, K] = lum_ref[b]


def _tc_call(xi, sparse, read_weights, read_vectors, W_if, b_if, lum,
             interpret=False):
    grid = (B, NB)
    return pl.pallas_call(
        _tc_body,
        grid=grid,
        in_specs=[
            pl.BlockSpec((B, IN), lambda b, j: (0, 0)),
            pl.BlockSpec((IN, IF), lambda b, j: (0, 0)),
            pl.BlockSpec((1, IF), lambda b, j: (0, 0)),
            pl.BlockSpec((B, 1, R), lambda b, j: (0, 0, 0)),
            pl.BlockSpec((B, R, W), lambda b, j: (0, 0, 0)),
            pl.BlockSpec(memory_space=pltpu.SMEM),
            pl.BlockSpec((1, BM, W), lambda b, j: (b, j, 0)),
        ],
        out_specs=[
            pl.BlockSpec(memory_space=pltpu.SMEM),
            pl.BlockSpec((1, 1, R), lambda b, j: (b, 0, 0)),
            pl.BlockSpec((B, R, W), lambda b, j: (0, 0, 0)),
        ],
        out_shape=[
            jax.ShapeDtypeStruct((B, R), jnp.int32),
            jax.ShapeDtypeStruct((B, 1, R), jnp.float32),
            jax.ShapeDtypeStruct((B, R, W), jnp.float32),
        ],
        scratch_shapes=[
            pltpu.VMEM((B, 128), jnp.float32),
            pltpu.VMEM((SUB, 128), jnp.float32),
            pltpu.VMEM((SUB, 128), jnp.float32),
            pltpu.VMEM((SUB, 128), jnp.float32),
            pltpu.VMEM((SUB, 128), jnp.float32),
            pltpu.VMEM((SUB, 128), jnp.int32),
            pltpu.VMEM((SUB, 128), jnp.int32),
            pltpu.VMEM((SUB, 128), jnp.int32),
            pltpu.VMEM((SUB, 128), jnp.int32),
        ],
        compiler_params=pltpu.CompilerParams(
            dimension_semantics=("arbitrary", "arbitrary")),
        interpret=interpret,
    )(xi, W_if, b_if.reshape(1, IF), read_weights, read_vectors, lum, sparse)


def _sc_gather(table, fidx):
    mesh = plsc.VectorSubcoreMesh(core_axis_name="c", subcore_axis_name="s")

    @functools.partial(
        pl.kernel,
        out_type=jax.ShapeDtypeStruct((B * R, W), jnp.float32),
        mesh=mesh,
        compiler_params=pltpu.CompilerParams(use_tc_tiling_on_sc=False),
        scratch_types=[
            pltpu.VMEM((B * R,), jnp.int32),
            pltpu.VMEM((B * R, W), jnp.float32),
            pltpu.SemaphoreType.DMA,
        ],
    )
    def k(table_hbm, idx_hbm, out_hbm, idx_v, rows_v, sem):
        wid = lax.axis_index("s") * 2 + lax.axis_index("c")

        @pl.when(wid == 0)
        def _():
            pltpu.sync_copy(idx_hbm, idx_v)
            pltpu.async_copy(table_hbm.at[idx_v], rows_v, sem).wait()
            pltpu.sync_copy(rows_v, out_hbm)

    return k(table, fidx)


def kernel(xi, sparse, read_weights, read_vectors, W_if, b_if, last_used_mem):
    lum = last_used_mem.astype(jnp.int32)
    pos, rw, nrv = _tc_call(xi, sparse, read_weights, read_vectors,
                            W_if, b_if, lum)
    flat = (pos + jnp.arange(B, dtype=jnp.int32)[:, None] * M).reshape(B * R)
    rows = _sc_gather(sparse.reshape(B * M, W), flat)
    rv = rows.reshape(B, R, W)
    out = rv[:, :K, :]
    return out, rv, rw, nrv

# --- scband reference (transcript-rebuilt; emitter-appended) ---
"""Pipeline reference for scband-sparse-memory-7430293422566 (READ-ONLY COPY).

The authoritative reference and input builder live on the scoring server;
editing this copy changes nothing except your own understanding.
"""

import jax, jax.numpy as jnp
import numpy as np

B, M, W, IN = 8, 100000, 32, 128
K = 4
R = K + 1
IF = 2 * W + R + 1  # interface size (independent_linears=False)


def setup_inputs(seed: int = 0) -> dict:
    key = jax.random.key(seed)
    ks = jax.random.split(key, 8)
    xi = jax.random.normal(ks[0], (B, IN), dtype=jnp.float32)
    sparse = jax.random.normal(ks[1], (B, M, W), dtype=jnp.float32)
    read_weights = jax.random.uniform(ks[2], (B, 1, R), dtype=jnp.float32)
    read_vectors = jax.random.normal(ks[3], (B, R, W), dtype=jnp.float32)
    last_used_mem = jax.random.randint(ks[4], (B,), 0, M)
    W_if = jax.random.normal(ks[5], (IN, IF), dtype=jnp.float32) * 0.02
    b_if = jnp.zeros((IF,), dtype=jnp.float32)
    return {"xi": xi, "sparse": sparse, "read_weights": read_weights,
            "read_vectors": read_vectors, "W_if": W_if, "b_if": b_if,
            "last_used_mem": last_used_mem}


def reference(xi, sparse, read_weights, read_vectors, W_if, b_if, last_used_mem):
    b = xi.shape[0]
    # interface projection (independent_linears=False branch)
    itf = xi @ W_if + b_if
    read_query = itf[:, :W].reshape(b, 1, W)
    write_vector = itf[:, W:2 * W].reshape(b, 1, W)
    interpolation_gate = itf[:, 2 * W:2 * W + R].reshape(b, 1, R)
    write_gate = jax.nn.sigmoid(itf[:, -1]).reshape(b, 1)
    # write(): update read_vectors state (no 'read_positions' on first step,
    # so write_into_memory is skipped, exactly as in the torch module)
    write_weights = write_gate[:, :, None] * (
        interpolation_gate * read_weights
        + (1.0 - interpolation_gate) * jnp.ones_like(read_weights))
    new_read_vectors = read_vectors + jnp.einsum('bir,biw->brw', write_weights, write_vector)
    # read(): exact L2 KNN (replaces FLANN approximate kd-tree nn_index)
    q = read_query[:, 0, :]  # [b, W]
    d2 = (jnp.sum(sparse * sparse, axis=-1)
          - 2.0 * jnp.einsum('bmw,bw->bm', sparse, q)
          + jnp.sum(q * q, axis=-1)[:, None])  # [b, M]
    neg_d, positions = jax.lax.top_k(-d2, K)
    dists = jnp.sqrt(jnp.maximum(-neg_d, 0.0))  # [b, K]
    positions = jnp.concatenate(
        [positions, last_used_mem[:, None].astype(positions.dtype)], axis=1)  # [b, R]
    dists = jnp.concatenate([dists, jnp.zeros((b, 1), dists.dtype)], axis=1)
    dists = dists / jnp.maximum(jnp.max(dists, axis=1, keepdims=True), 1e-8)
    rv = jnp.take_along_axis(sparse, positions[:, :, None], axis=1)  # [b, R, W]
    rw = dists[:, None, :].astype(jnp.float32)  # [b, 1, R]
    out = rv[:, :-1, :]  # [b, K, W]
    return out, rv, rw, new_read_vectors

if __name__ == "__main__":
    import jax
    _d = setup_inputs()
    print(jax.jit(kernel)(*tuple(_d.values())))

</pallas_src>

<mosaic_0001>
#map = affine_map<(d0, d1) -> (0, 0)>
#map1 = affine_map<(d0, d1) -> (0)>
module attributes {stable_mosaic.version = 14 : i64} {
  func.func @k(%arg0: i32, %arg1: i32, %arg2: memref<800000x32xf32, #tpu.memory_space<hbm>>, %arg3: memref<40xi32, #tpu.memory_space<hbm>>, %arg4: memref<40x32xf32, #tpu.memory_space<hbm>>, %arg5: memref<40xi32, #tpu.memory_space<vmem>>, %arg6: memref<40x32xf32, #tpu.memory_space<vmem>>, %arg7: memref<!tpu.dma_semaphore, #tpu.memory_space<semaphore_mem>>) attributes {dimension_semantics = [#tpu.dimension_semantics<core_parallel>, #tpu.dimension_semantics<subcore_parallel>], iteration_bounds = array<i64: 2, 16>, scalar_prefetch = 0 : i64, scratch_operands = 3 : i64, tpu.core_type = #tpu.core_type<sc_vector_subcore>, window_params = [{transform_indices = #map}, {transform_indices = #map1}, {transform_indices = #map}]} {
    %mul3A = arith.constant 2 : i32
    %mul3A_0 = arith.muli %arg1, %mul3A : i32
    %add3A = arith.addi %mul3A_0, %arg0 : i32
    %eq3A = arith.constant 0 : i32
    %eq3A_1 = arith.cmpi eq, %add3A, %eq3A : i32
    %convert_element_type3A = arith.extui %eq3A_1 : i1 to i32
    %cond3A = arith.constant 0 : i32
    %cond3A_2 = arith.cmpi ne, %convert_element_type3A, %cond3A : i32
    scf.if %cond3A_2 {
      "tpu.region"() ({
        %run_scoped3A = tpu.sem_alloc : memref<!tpu.dma_semaphore, #tpu.memory_space<semaphore_mem>>
        tpu.enqueue_dma source(%arg3 : memref<40xi32, #tpu.memory_space<hbm>>) target(%arg5 : memref<40xi32, #tpu.memory_space<vmem>>) target_semaphore(%run_scoped3A : memref<!tpu.dma_semaphore, #tpu.memory_space<semaphore_mem>>)
        tpu.wait_dma2 semaphore(%run_scoped3A : memref<!tpu.dma_semaphore, #tpu.memory_space<semaphore_mem>>) src(%arg3 : memref<40xi32, #tpu.memory_space<hbm>>) dst(%arg5 : memref<40xi32, #tpu.memory_space<vmem>>)
        tpu.yield
      }) : () -> ()
      %dma_start3A = arith.constant 0 : i32
      %dma_start3A_3 = arith.constant 0 : i32
      %dma_start3A_4 = tpu.memref_slice %arg2[%dma_start3A, %dma_start3A_3] : memref<800000x32xf32, #tpu.memory_space<hbm>> -> memref<800000x32xf32, #tpu.memory_space<hbm>>
      tpu.enqueue_indirect_dma source(%dma_start3A_4 : memref<800000x32xf32, #tpu.memory_space<hbm>>) target(%arg6 : memref<40x32xf32, #tpu.memory_space<vmem>>) offsets(%arg5 : memref<40xi32, #tpu.memory_space<vmem>>) semaphore(%arg7 : memref<!tpu.dma_semaphore, #tpu.memory_space<semaphore_mem>>)
      %dma_wait3A = arith.constant 0 : i32
      %dma_wait3A_5 = arith.constant 0 : i32
      %dma_wait3A_6 = tpu.memref_slice %arg2[%dma_wait3A, %dma_wait3A_5] : memref<800000x32xf32, #tpu.memory_space<hbm>> -> memref<800000x32xf32, #tpu.memory_space<hbm>>
      tpu.wait_indirect_dma semaphore(%arg7 : memref<!tpu.dma_semaphore, #tpu.memory_space<semaphore_mem>>) src(%dma_wait3A_6 : memref<800000x32xf32, #tpu.memory_space<hbm>>) dst(%arg6 : memref<40x32xf32, #tpu.memory_space<vmem>>)
      "tpu.region"() ({
        %run_scoped3A = tpu.sem_alloc : memref<!tpu.dma_semaphore, #tpu.memory_space<semaphore_mem>>
        tpu.enqueue_dma source(%arg6 : memref<40x32xf32, #tpu.memory_space<vmem>>) target(%arg4 : memref<40x32xf32, #tpu.memory_space<hbm>>) target_semaphore(%run_scoped3A : memref<!tpu.dma_semaphore, #tpu.memory_space<semaphore_mem>>)
        tpu.wait_dma2 semaphore(%run_scoped3A : memref<!tpu.dma_semaphore, #tpu.memory_space<semaphore_mem>>) src(%arg6 : memref<40x32xf32, #tpu.memory_space<vmem>>) dst(%arg4 : memref<40x32xf32, #tpu.memory_space<hbm>>)
        tpu.yield
      }) : () -> ()
    } else {
    }
    return
  }
}

module attributes {stable_mosaic.version = 14 : i64} {
  func.func @_tc_body(%arg0: i32, %arg1: i32, %arg2: memref<8x128xf32, #tpu.memory_space<vmem>>, %arg3: memref<128x70xf32, #tpu.memory_space<vmem>>, %arg4: memref<1x70xf32, #tpu.memory_space<vmem>>, %arg5: memref<8x1x5xf32, #tpu.memory_space<vmem>>, %arg6: memref<8x5x32xf32, #tpu.memory_space<vmem>>, %arg7: memref<8xi32, #tpu.memory_space<smem>>, %arg8: memref<1x2048x32xf32, #tpu.memory_space<vmem>>, %arg9: memref<8x5xi32, #tpu.memory_space<smem>>, %arg10: memref<1x1x5xf32, #tpu.memory_space<vmem>>, %arg11: memref<8x5x32xf32, #tpu.memory_space<vmem>>, %arg12: memref<8x128xf32, #tpu.memory_space<vmem>>, %arg13: memref<16x128xf32, #tpu.memory_space<vmem>>, %arg14: memref<16x128xf32, #tpu.memory_space<vmem>>, %arg15: memref<16x128xf32, #tpu.memory_space<vmem>>, %arg16: memref<16x128xf32, #tpu.memory_space<vmem>>, %arg17: memref<16x128xi32, #tpu.memory_space<vmem>>, %arg18: memref<16x128xi32, #tpu.memory_space<vmem>>, %arg19: memref<16x128xi32, #tpu.memory_space<vmem>>, %arg20: memref<16x128xi32, #tpu.memory_space<vmem>>) attributes {dimension_semantics = [#tpu.dimension_semantics<arbitrary>, #tpu.dimension_semantics<arbitrary>], iteration_bounds = array<i64: 8, 49>, scalar_prefetch = 0 : i64, scratch_operands = 9 : i64, tpu.core_type = #tpu.core_type<tc>, window_params = [{pipeline_mode = #tpu.pipeline_mode<synchronous>, transform_indices = @transform_0, window_bounds = array<i64: 8, 128>}, {pipeline_mode = #tpu.pipeline_mode<synchronous>, transform_indices = @transform_1, window_bounds = array<i64: 128, 70>}, {pipeline_mode = #tpu.pipeline_mode<synchronous>, transform_indices = @transform_2, window_bounds = array<i64: 1, 70>}, {pipeline_mode = #tpu.pipeline_mode<synchronous>, transform_indices = @transform_3, window_bounds = array<i64: 8, 1, 5>}, {pipeline_mode = #tpu.pipeline_mode<synchronous>, transform_indices = @transform_4, window_bounds = array<i64: 8, 5, 32>}, {transform_indices = @transform_5, window_bounds = array<i64: 8>}, {transform_indices = @transform_6, window_bounds = array<i64: 1, 2048, 32>}, {transform_indices = @transform_7, window_bounds = array<i64: 8, 5>}, {transform_indices = @transform_8, window_bounds = array<i64: 1, 1, 5>}, {pipeline_mode = #tpu.pipeline_mode<synchronous>, transform_indices = @transform_9, window_bounds = array<i64: 8, 5, 32>}]} {
    %eq3A = arith.constant 0 : i32
    %eq3A_0 = arith.cmpi eq, %arg0, %eq3A : i32
    %eq3A_1 = arith.constant 0 : i32
    %eq3A_2 = arith.cmpi eq, %arg1, %eq3A_1 : i32
    %and3A = arith.andi %eq3A_0, %eq3A_2 : i1
    %convert_element_type3A = arith.extui %and3A : i1 to i32
    %cond3A = arith.constant 0 : i32
    %cond3A_3 = arith.cmpi ne, %convert_element_type3A, %cond3A : i32
    scf.if %cond3A_3 {
      %get3A_103 = arith.constant 0 : index
      %get3A_104 = arith.constant 0 : index
      %get3A_105 = vector.load %arg2[%get3A_103, %get3A_104] : memref<8x128xf32, #tpu.memory_space<vmem>>, vector<8x128xf32>
      %get3A_106 = arith.constant 0 : index
      %get3A_107 = arith.constant 0 : index
      %get3A_108 = vector.load %arg3[%get3A_106, %get3A_107] : memref<128x70xf32, #tpu.memory_space<vmem>>, vector<128x70xf32>
      %dot_general3A = arith.constant dense<0.000000e+00> : vector<8x70xf32>
      %dot_general3A_109 = tpu.matmul %get3A_105, %get3A_108, %dot_general3A {dimension_numbers = #tpu.dot_dimension_numbers<[1], [0], [0], [1], [0, 0, 1, 1], [], []>, transpose_lhs_hint = false} : vector<8x128xf32>, vector<128x70xf32>, vector<8x70xf32> -> vector<8x70xf32>
      %get3A_110 = arith.constant 0 : index
      %get3A_111 = arith.constant 0 : index
      %get3A_112 = vector.load %arg4[%get3A_110, %get3A_111] : memref<1x70xf32, #tpu.memory_space<vmem>>, vector<1x70xf32>
      %add3A_113 = vector.broadcast %get3A_112 : vector<1x70xf32> to vector<8x70xf32>
      %add3A_114 = arith.addf %dot_general3A_109, %add3A_113 : vector<8x70xf32>
      %swap3A_115 = arith.constant 0 : index
      %swap3A_116 = arith.constant 0 : index
      %swap3A_117 = vector.load %arg12[%swap3A_115, %swap3A_116] : memref<8x128xf32, #tpu.memory_space<vmem>>, vector<8x70xf32>
      tpu.vector_store %arg12[%swap3A_115, %swap3A_116], %add3A_114 {strides = array<i32>} : memref<8x128xf32, #tpu.memory_space<vmem>>, vector<8x70xf32>,
      %slice3A = vector.extract_strided_slice %add3A_114 {offsets = [0, 32], sizes = [8, 32], strides = [1, 1]} : vector<8x70xf32> to vector<8x32xf32>
      %slice3A_118 = vector.extract_strided_slice %add3A_114 {offsets = [0, 64], sizes = [8, 5], strides = [1, 1]} : vector<8x70xf32> to vector<8x5xf32>
      %slice3A_119 = vector.extract_strided_slice %add3A_114 {offsets = [0, 69], sizes = [8, 1], strides = [1, 1]} : vector<8x70xf32> to vector<8x1xf32>
      %neg3A = arith.constant 0.000000e+00 : f32
      %neg3A_120 = vector.broadcast %neg3A : f32 to vector<8x1xf32>
      %neg3A_121 = arith.subf %neg3A_120, %slice3A_119 : vector<8x1xf32>
      %exp3A = math.exp %neg3A_121 : vector<8x1xf32>
      %add3A_122 = arith.constant 1.000000e+00 : f32
      %add3A_123 = vector.broadcast %add3A_122 : f32 to vector<8x1xf32>
      %add3A_124 = arith.addf %add3A_123, %exp3A : vector<8x1xf32>
      %div3A = arith.constant 1.000000e+00 : f32
      %div3A_125 = vector.broadcast %div3A : f32 to vector<8x1xf32>
      %div3A_126 = arith.divf %div3A_125, %add3A_124 : vector<8x1xf32>
      %get3A_127 = arith.constant 0 : index
      %get3A_128 = arith.constant 0 : index
      %get3A_129 = arith.constant 0 : index
      %get3A_130 = vector.load %arg5[%get3A_127, %get3A_128, %get3A_129] : memref<8x1x5xf32, #tpu.memory_space<vmem>>, vector<8x1x5xf32>
      %get3A_131 = vector.shape_cast %get3A_130 : vector<8x1x5xf32> to vector<8x5xf32>
      %mul3A_132 = arith.mulf %slice3A_118, %get3A_131 : vector<8x5xf32>
      %sub3A_133 = arith.constant 1.000000e+00 : f32
      %sub3A_134 = vector.broadcast %sub3A_133 : f32 to vector<8x5xf32>
      %sub3A_135 = arith.subf %sub3A_134, %slice3A_118 : vector<8x5xf32>
      %add3A_136 = arith.addf %mul3A_132, %sub3A_135 : vector<8x5xf32>
      %mul3A_137 = vector.broadcast %div3A_126 : vector<8x1xf32> to vector<8x5xf32>
      %mul3A_138 = arith.mulf %mul3A_137, %add3A_136 : vector<8x5xf32>
      %get3A_139 = arith.constant 0 : index
      %get3A_140 = arith.constant 0 : index
      %get3A_141 = arith.constant 0 : index
      %get3A_142 = vector.load %arg6[%get3A_139, %get3A_140, %get3A_141] : memref<8x5x32xf32, #tpu.memory_space<vmem>>, vector<8x5x32xf32>
      %broadcast_in_dim3A_143 = vector.shape_cast %mul3A_138 : vector<8x5xf32> to vector<8x5x1xf32>
      %broadcast_in_dim3A_144 = vector.shape_cast %slice3A : vector<8x32xf32> to vector<8x1x32xf32>
      %mul3A_145 = vector.broadcast %broadcast_in_dim3A_143 : vector<8x5x1xf32> to vector<8x5x32xf32>
      %mul3A_146 = vector.broadcast %broadcast_in_dim3A_144 : vector<8x1x32xf32> to vector<8x5x32xf32>
      %mul3A_147 = arith.mulf %mul3A_145, %mul3A_146 : vector<8x5x32xf32>
      %add3A_148 = arith.addf %get3A_142, %mul3A_147 : vector<8x5x32xf32>
      %swap3A_149 = arith.constant 0 : index
      %swap3A_150 = arith.constant 0 : index
      %swap3A_151 = arith.constant 0 : index
      %swap3A_152 = vector.load %arg11[%swap3A_149, %swap3A_150, %swap3A_151] : memref<8x5x32xf32, #tpu.memory_space<vmem>>, vector<8x5x32xf32>
      tpu.vector_store %arg11[%swap3A_149, %swap3A_150, %swap3A_151], %add3A_148 {strides = array<i32>} : memref<8x5x32xf32, #tpu.memory_space<vmem>>, vector<8x5x32xf32>,
    } else {
    }
    %eq3A_4 = arith.constant 0 : i32
    %eq3A_5 = arith.cmpi eq, %arg1, %eq3A_4 : i32
    %convert_element_type3A_6 = arith.extui %eq3A_5 : i1 to i32
    %cond3A_7 = arith.constant 0 : i32
    %cond3A_8 = arith.cmpi ne, %convert_element_type3A_6, %cond3A_7 : i32
    scf.if %cond3A_8 {
      %broadcast_in_dim3A_103 = arith.constant 0x7F800000 : f32
      %broadcast_in_dim3A_104 = vector.broadcast %broadcast_in_dim3A_103 : f32 to vector<16x128xf32>
      %broadcast_in_dim3A_105 = arith.constant 0 : i32
      %broadcast_in_dim3A_106 = vector.broadcast %broadcast_in_dim3A_105 : i32 to vector<16x128xi32>
      %swap3A_107 = arith.constant 0 : index
      %swap3A_108 = arith.constant 0 : index
      %swap3A_109 = vector.load %arg13[%swap3A_107, %swap3A_108] : memref<16x128xf32, #tpu.memory_space<vmem>>, vector<16x128xf32>
      tpu.vector_store %arg13[%swap3A_107, %swap3A_108], %broadcast_in_dim3A_104 {strides = array<i32>} : memref<16x128xf32, #tpu.memory_space<vmem>>, vector<16x128xf32>,
      %swap3A_110 = arith.constant 0 : index
      %swap3A_111 = arith.constant 0 : index
      %swap3A_112 = vector.load %arg14[%swap3A_110, %swap3A_111] : memref<16x128xf32, #tpu.memory_space<vmem>>, vector<16x128xf32>
      tpu.vector_store %arg14[%swap3A_110, %swap3A_111], %broadcast_in_dim3A_104 {strides = array<i32>} : memref<16x128xf32, #tpu.memory_space<vmem>>, vector<16x128xf32>,
      %swap3A_113 = arith.constant 0 : index
      %swap3A_114 = arith.constant 0 : index
      %swap3A_115 = vector.load %arg15[%swap3A_113, %swap3A_114] : memref<16x128xf32, #tpu.memory_space<vmem>>, vector<16x128xf32>
      tpu.vector_store %arg15[%swap3A_113, %swap3A_114], %broadcast_in_dim3A_104 {strides = array<i32>} : memref<16x128xf32, #tpu.memory_space<vmem>>, vector<16x128xf32>,
      %swap3A_116 = arith.constant 0 : index
      %swap3A_117 = arith.constant 0 : index
      %swap3A_118 = vector.load %arg16[%swap3A_116, %swap3A_117] : memref<16x128xf32, #tpu.memory_space<vmem>>, vector<16x128xf32>
      tpu.vector_store %arg16[%swap3A_116, %swap3A_117], %broadcast_in_dim3A_104 {strides = array<i32>} : memref<16x128xf32, #tpu.memory_space<vmem>>, vector<16x128xf32>,
      %swap3A_119 = arith.constant 0 : index
      %swap3A_120 = arith.constant 0 : index
      %swap3A_121 = vector.load %arg17[%swap3A_119, %swap3A_120] : memref<16x128xi32, #tpu.memory_space<vmem>>, vector<16x128xi32>
      tpu.vector_store %arg17[%swap3A_119, %swap3A_120], %broadcast_in_dim3A_106 {strides = array<i32>} : memref<16x128xi32, #tpu.memory_space<vmem>>, vector<16x128xi32>,
      %swap3A_122 = arith.constant 0 : index
      %swap3A_123 = arith.constant 0 : index
      %swap3A_124 = vector.load %arg18[%swap3A_122, %swap3A_123] : memref<16x128xi32, #tpu.memory_space<vmem>>, vector<16x128xi32>
      tpu.vector_store %arg18[%swap3A_122, %swap3A_123], %broadcast_in_dim3A_106 {strides = array<i32>} : memref<16x128xi32, #tpu.memory_space<vmem>>, vector<16x128xi32>,
      %swap3A_125 = arith.constant 0 : index
      %swap3A_126 = arith.constant 0 : index
      %swap3A_127 = vector.load %arg19[%swap3A_125, %swap3A_126] : memref<16x128xi32, #tpu.memory_space<vmem>>, vector<16x128xi32>
      tpu.vector_store %arg19[%swap3A_125, %swap3A_126], %broadcast_in_dim3A_106 {strides = array<i32>} : memref<16x128xi32, #tpu.memory_space<vmem>>, vector<16x128xi32>,
      %swap3A_128 = arith.constant 0 : index
      %swap3A_129 = arith.constant 0 : index
      %swap3A_130 = vector.load %arg20[%swap3A_128, %swap3A_129] : memref<16x128xi32, #tpu.memory_space<vmem>>, vector<16x128xi32>
      tpu.vector_store %arg20[%swap3A_128, %swap3A_129], %broadcast_in_dim3A_106 {strides = array<i32>} : memref<16x128xi32, #tpu.memory_space<vmem>>, vector<16x128xi32>,
    } else {
    }
    %get3A = arith.constant 0 : index
    %get3A_9 = arith.constant 0 : index
    %get3A_10 = arith.constant 0 : index
    %get3A_11 = vector.load %arg8[%get3A, %get3A_9, %get3A_10] : memref<1x2048x32xf32, #tpu.memory_space<vmem>>, vector<1x2048x32xf32>
    %get3A_12 = vector.shape_cast %get3A_11 : vector<1x2048x32xf32> to vector<2048x32xf32>
    %reshape3A = vector.shape_cast %get3A_12 : vector<2048x32xf32> to vector<16x128x32xf32>
    %get3A_13 = arith.index_cast %arg0 : i32 to index
    %get3A_14 = arith.constant 0 : index
    %get3A_15 = vector.load %arg12[%get3A_13, %get3A_14] : memref<8x128xf32, #tpu.memory_space<vmem>>, vector<1x32xf32>
    %get3A_16 = vector.shape_cast %get3A_15 : vector<1x32xf32> to vector<32xf32>
    %broadcast_in_dim3A = vector.shape_cast %get3A_16 : vector<32xf32> to vector<1x1x32xf32>
    %mul3A = arith.constant 2.000000e+00 : f32
    %mul3A_17 = vector.broadcast %mul3A : f32 to vector<1x1x32xf32>
    %mul3A_18 = arith.mulf %mul3A_17, %broadcast_in_dim3A : vector<1x1x32xf32>
    %sub3A = vector.broadcast %mul3A_18 : vector<1x1x32xf32> to vector<16x128x32xf32>
    %sub3A_19 = arith.subf %reshape3A, %sub3A : vector<16x128x32xf32>
    %mul3A_20 = arith.mulf %reshape3A, %sub3A_19 : vector<16x128x32xf32>
    %reduce_sum3A = arith.constant dense<0.000000e+00> : vector<16x128xf32>
    %reduce_sum3A_21 = vector.multi_reduction <add>, %mul3A_20, %reduce_sum3A [2] : vector<16x128x32xf32> to vector<16x128xf32>
    %mul3A_22 = arith.constant 2048 : i32
    %mul3A_23 = arith.muli %arg1, %mul3A_22 : i32
    %iota3A = tpu.iota {dimensions = array<i32: 0>} : vector<16x128xi32>
    %mul3A_24 = arith.constant 128 : i32
    %mul3A_25 = vector.broadcast %mul3A_24 : i32 to vector<16x128xi32>
    %mul3A_26 = arith.muli %iota3A, %mul3A_25 : vector<16x128xi32>
    %add3A = vector.broadcast %mul3A_23 : i32 to vector<16x128xi32>
    %add3A_27 = arith.addi %add3A, %mul3A_26 : vector<16x128xi32>
    %iota3A_28 = tpu.iota {dimensions = array<i32: 1>} : vector<16x128xi32>
    %add3A_29 = arith.addi %add3A_27, %iota3A_28 : vector<16x128xi32>
    %lt3A = arith.constant 100000 : i32
    %lt3A_30 = vector.broadcast %lt3A : i32 to vector<16x128xi32>
    %lt3A_31 = arith.cmpi slt, %add3A_29, %lt3A_30 : vector<16x128xi32>
    %jit3A = arith.constant 0x7F800000 : f32
    %broadcast_in_dim3A_32 = vector.broadcast %jit3A : f32 to vector<16x128xf32>
    %select_n3A = arith.select %lt3A_31, %reduce_sum3A_21, %broadcast_in_dim3A_32 : vector<16x128xi1>, vector<16x128xf32>
    %get3A_33 = arith.constant 0 : index
    %get3A_34 = arith.constant 0 : index
    %get3A_35 = vector.load %arg13[%get3A_33, %get3A_34] : memref<16x128xf32, #tpu.memory_space<vmem>>, vector<16x128xf32>
    %get3A_36 = arith.constant 0 : index
    %get3A_37 = arith.constant 0 : index
    %get3A_38 = vector.load %arg14[%get3A_36, %get3A_37] : memref<16x128xf32, #tpu.memory_space<vmem>>, vector<16x128xf32>
    %get3A_39 = arith.constant 0 : index
    %get3A_40 = arith.constant 0 : index
    %get3A_41 = vector.load %arg15[%get3A_39, %get3A_40] : memref<16x128xf32, #tpu.memory_space<vmem>>, vector<16x128xf32>
    %get3A_42 = arith.constant 0 : index
    %get3A_43 = arith.constant 0 : index
    %get3A_44 = vector.load %arg16[%get3A_42, %get3A_43] : memref<16x128xf32, #tpu.memory_space<vmem>>, vector<16x128xf32>
    %get3A_45 = arith.constant 0 : index
    %get3A_46 = arith.constant 0 : index
    %get3A_47 = vector.load %arg17[%get3A_45, %get3A_46] : memref<16x128xi32, #tpu.memory_space<vmem>>, vector<16x128xi32>
    %get3A_48 = arith.constant 0 : index
    %get3A_49 = arith.constant 0 : index
    %get3A_50 = vector.load %arg18[%get3A_48, %get3A_49] : memref<16x128xi32, #tpu.memory_space<vmem>>, vector<16x128xi32>
    %get3A_51 = arith.constant 0 : index
    %get3A_52 = arith.constant 0 : index
    %get3A_53 = vector.load %arg19[%get3A_51, %get3A_52] : memref<16x128xi32, #tpu.memory_space<vmem>>, vector<16x128xi32>
    %get3A_54 = arith.constant 0 : index
    %get3A_55 = arith.constant 0 : index
    %get3A_56 = vector.load %arg20[%get3A_54, %get3A_55] : memref<16x128xi32, #tpu.memory_space<vmem>>, vector<16x128xi32>
    %lt3A_57 = arith.cmpf olt, %select_n3A, %get3A_35 : vector<16x128xf32>
    %lt3A_58 = arith.cmpf olt, %select_n3A, %get3A_38 : vector<16x128xf32>
    %lt3A_59 = arith.cmpf olt, %select_n3A, %get3A_41 : vector<16x128xf32>
    %lt3A_60 = arith.cmpf olt, %select_n3A, %get3A_44 : vector<16x128xf32>
    %select_n3A_61 = arith.select %lt3A_60, %select_n3A, %get3A_44 : vector<16x128xi1>, vector<16x128xf32>
    %select_n3A_62 = arith.select %lt3A_59, %get3A_41, %select_n3A_61 : vector<16x128xi1>, vector<16x128xf32>
    %swap3A = arith.constant 0 : index
    %swap3A_63 = arith.constant 0 : index
    %swap3A_64 = vector.load %arg16[%swap3A, %swap3A_63] : memref<16x128xf32, #tpu.memory_space<vmem>>, vector<16x128xf32>
    tpu.vector_store %arg16[%swap3A, %swap3A_63], %select_n3A_62 {strides = array<i32>} : memref<16x128xf32, #tpu.memory_space<vmem>>, vector<16x128xf32>,
    %select_n3A_65 = arith.select %lt3A_60, %add3A_29, %get3A_56 : vector<16x128xi1>, vector<16x128xi32>
    %select_n3A_66 = arith.select %lt3A_59, %get3A_53, %select_n3A_65 : vector<16x128xi1>, vector<16x128xi32>
    %swap3A_67 = arith.constant 0 : index
    %swap3A_68 = arith.constant 0 : index
    %swap3A_69 = vector.load %arg20[%swap3A_67, %swap3A_68] : memref<16x128xi32, #tpu.memory_space<vmem>>, vector<16x128xi32>
    tpu.vector_store %arg20[%swap3A_67, %swap3A_68], %select_n3A_66 {strides = array<i32>} : memref<16x128xi32, #tpu.memory_space<vmem>>, vector<16x128xi32>,
    %select_n3A_70 = arith.select %lt3A_59, %select_n3A, %get3A_41 : vector<16x128xi1>, vector<16x128xf32>
    %select_n3A_71 = arith.select %lt3A_58, %get3A_38, %select_n3A_70 : vector<16x128xi1>, vector<16x128xf32>
    %swap3A_72 = arith.constant 0 : index
    %swap3A_73 = arith.constant 0 : index
    %swap3A_74 = vector.load %arg15[%swap3A_72, %swap3A_73] : memref<16x128xf32, #tpu.memory_space<vmem>>, vector<16x128xf32>
    tpu.vector_store %arg15[%swap3A_72, %swap3A_73], %select_n3A_71 {strides = array<i32>} : memref<16x128xf32, #tpu.memory_space<vmem>>, vector<16x128xf32>,
    %select_n3A_75 = arith.select %lt3A_59, %add3A_29, %get3A_53 : vector<16x128xi1>, vector<16x128xi32>
    %select_n3A_76 = arith.select %lt3A_58, %get3A_50, %select_n3A_75 : vector<16x128xi1>, vector<16x128xi32>
    %swap3A_77 = arith.constant 0 : index
    %swap3A_78 = arith.constant 0 : index
    %swap3A_79 = vector.load %arg19[%swap3A_77, %swap3A_78] : memref<16x128xi32, #tpu.memory_space<vmem>>, vector<16x128xi32>
    tpu.vector_store %arg19[%swap3A_77, %swap3A_78], %select_n3A_76 {strides = array<i32>} : memref<16x128xi32, #tpu.memory_space<vmem>>, vector<16x128xi32>,
    %select_n3A_80 = arith.select %lt3A_58, %select_n3A, %get3A_38 : vector<16x128xi1>, vector<16x128xf32>
    %select_n3A_81 = arith.select %lt3A_57, %get3A_35, %select_n3A_80 : vector<16x128xi1>, vector<16x128xf32>
    %swap3A_82 = arith.constant 0 : index
    %swap3A_83 = arith.constant 0 : index
    %swap3A_84 = vector.load %arg14[%swap3A_82, %swap3A_83] : memref<16x128xf32, #tpu.memory_space<vmem>>, vector<16x128xf32>
    tpu.vector_store %arg14[%swap3A_82, %swap3A_83], %select_n3A_81 {strides = array<i32>} : memref<16x128xf32, #tpu.memory_space<vmem>>, vector<16x128xf32>,
    %select_n3A_85 = arith.select %lt3A_58, %add3A_29, %get3A_50 : vector<16x128xi1>, vector<16x128xi32>
    %select_n3A_86 = arith.select %lt3A_57, %get3A_47, %select_n3A_85 : vector<16x128xi1>, vector<16x128xi32>
    %swap3A_87 = arith.constant 0 : index
    %swap3A_88 = arith.constant 0 : index
    %swap3A_89 = vector.load %arg18[%swap3A_87, %swap3A_88] : memref<16x128xi32, #tpu.memory_space<vmem>>, vector<16x128xi32>
    tpu.vector_store %arg18[%swap3A_87, %swap3A_88], %select_n3A_86 {strides = array<i32>} : memref<16x128xi32, #tpu.memory_space<vmem>>, vector<16x128xi32>,
    %select_n3A_90 = arith.select %lt3A_57, %select_n3A, %get3A_35 : vector<16x128xi1>, vector<16x128xf32>
    %swap3A_91 = arith.constant 0 : index
    %swap3A_92 = arith.constant 0 : index
    %swap3A_93 = vector.load %arg13[%swap3A_91, %swap3A_92] : memref<16x128xf32, #tpu.memory_space<vmem>>, vector<16x128xf32>
    tpu.vector_store %arg13[%swap3A_91, %swap3A_92], %select_n3A_90 {strides = array<i32>} : memref<16x128xf32, #tpu.memory_space<vmem>>, vector<16x128xf32>,
    %select_n3A_94 = arith.select %lt3A_57, %add3A_29, %get3A_47 : vector<16x128xi1>, vector<16x128xi32>
    %swap3A_95 = arith.constant 0 : index
    %swap3A_96 = arith.constant 0 : index
    %swap3A_97 = vector.load %arg17[%swap3A_95, %swap3A_96] : memref<16x128xi32, #tpu.memory_space<vmem>>, vector<16x128xi32>
    tpu.vector_store %arg17[%swap3A_95, %swap3A_96], %select_n3A_94 {strides = array<i32>} : memref<16x128xi32, #tpu.memory_space<vmem>>, vector<16x128xi32>,
    %eq3A_98 = arith.constant 48 : i32
    %eq3A_99 = arith.cmpi eq, %arg1, %eq3A_98 : i32
    %convert_element_type3A_100 = arith.extui %eq3A_99 : i1 to i32
    %cond3A_101 = arith.constant 0 : i32
    %cond3A_102 = arith.cmpi ne, %convert_element_type3A_100, %cond3A_101 : i32
    scf.if %cond3A_102 {
      %get3A_103 = arith.constant 0 : index
      %get3A_104 = arith.constant 0 : index
      %get3A_105 = vector.load %arg13[%get3A_103, %get3A_104] : memref<16x128xf32, #tpu.memory_space<vmem>>, vector<16x128xf32>
      %get3A_106 = arith.constant 0 : index
      %get3A_107 = arith.constant 0 : index
      %get3A_108 = vector.load %arg14[%get3A_106, %get3A_107] : memref<16x128xf32, #tpu.memory_space<vmem>>, vector<16x128xf32>
      %get3A_109 = arith.constant 0 : index
      %get3A_110 = arith.constant 0 : index
      %get3A_111 = vector.load %arg15[%get3A_109, %get3A_110] : memref<16x128xf32, #tpu.memory_space<vmem>>, vector<16x128xf32>
      %get3A_112 = arith.constant 0 : index
      %get3A_113 = arith.constant 0 : index
      %get3A_114 = vector.load %arg16[%get3A_112, %get3A_113] : memref<16x128xf32, #tpu.memory_space<vmem>>, vector<16x128xf32>
      %get3A_115 = arith.constant 0 : index
      %get3A_116 = arith.constant 0 : index
      %get3A_117 = vector.load %arg17[%get3A_115, %get3A_116] : memref<16x128xi32, #tpu.memory_space<vmem>>, vector<16x128xi32>
      %get3A_118 = arith.constant 0 : index
      %get3A_119 = arith.constant 0 : index
      %get3A_120 = vector.load %arg18[%get3A_118, %get3A_119] : memref<16x128xi32, #tpu.memory_space<vmem>>, vector<16x128xi32>
      %get3A_121 = arith.constant 0 : index
      %get3A_122 = arith.constant 0 : index
      %get3A_123 = vector.load %arg19[%get3A_121, %get3A_122] : memref<16x128xi32, #tpu.memory_space<vmem>>, vector<16x128xi32>
      %get3A_124 = arith.constant 0 : index
      %get3A_125 = arith.constant 0 : index
      %get3A_126 = vector.load %arg20[%get3A_124, %get3A_125] : memref<16x128xi32, #tpu.memory_space<vmem>>, vector<16x128xi32>
      %min3A = arith.minimumf %get3A_105, %get3A_108 : vector<16x128xf32>
      %min3A_127 = arith.minimumf %get3A_111, %get3A_114 : vector<16x128xf32>
      %min3A_128 = arith.minimumf %min3A, %min3A_127 : vector<16x128xf32>
      %reduce_min3A = vector.shape_cast %min3A_128 : vector<16x128xf32> to vector<1x16x128xf32>
      %reduce_min3A_129 = arith.constant dense<0x7F800000> : vector<1xf32>
      %reduce_min3A_130 = vector.multi_reduction <minimumf>, %reduce_min3A, %reduce_min3A_129 [1, 2] : vector<1x16x128xf32> to vector<1xf32>
      %reduce_min3A_131 = vector.shape_cast %reduce_min3A_130 : vector<1xf32> to vector<1x1x1xf32>
      %reduce_min3A_132 = vector.extract %reduce_min3A_131[0, 0, 0] : f32 from vector<1x1x1xf32>
      %eq3A_133 = vector.broadcast %reduce_min3A_132 : f32 to vector<16x128xf32>
      %eq3A_134 = arith.cmpf oeq, %get3A_105, %eq3A_133 : vector<16x128xf32>
      %jit3A_135 = arith.constant 2147483647 : i32
      %broadcast_in_dim3A_136 = vector.broadcast %jit3A_135 : i32 to vector<16x128xi32>
      %select_n3A_137 = arith.select %eq3A_134, %get3A_117, %broadcast_in_dim3A_136 : vector<16x128xi1>, vector<16x128xi32>
      %reduce_min3A_138 = vector.shape_cast %select_n3A_137 : vector<16x128xi32> to vector<1x16x128xi32>
      %reduce_min3A_139 = arith.constant dense<2147483647> : vector<1xi32>
      %reduce_min3A_140 = vector.multi_reduction <minsi>, %reduce_min3A_138, %reduce_min3A_139 [1, 2] : vector<1x16x128xi32> to vector<1xi32>
      %reduce_min3A_141 = vector.shape_cast %reduce_min3A_140 : vector<1xi32> to vector<1x1x1xi32>
      %reduce_min3A_142 = vector.extract %reduce_min3A_141[0, 0, 0] : i32 from vector<1x1x1xi32>
      %eq3A_143 = vector.broadcast %reduce_min3A_132 : f32 to vector<16x128xf32>
      %eq3A_144 = arith.cmpf oeq, %get3A_108, %eq3A_143 : vector<16x128xf32>
      %jit3A_145 = arith.constant 2147483647 : i32
      %broadcast_in_dim3A_146 = vector.broadcast %jit3A_145 : i32 to vector<16x128xi32>
      %select_n3A_147 = arith.select %eq3A_144, %get3A_120, %broadcast_in_dim3A_146 : vector<16x128xi1>, vector<16x128xi32>
      %reduce_min3A_148 = vector.shape_cast %select_n3A_147 : vector<16x128xi32> to vector<1x16x128xi32>
      %reduce_min3A_149 = arith.constant dense<2147483647> : vector<1xi32>
      %reduce_min3A_150 = vector.multi_reduction <minsi>, %reduce_min3A_148, %reduce_min3A_149 [1, 2] : vector<1x16x128xi32> to vector<1xi32>
      %reduce_min3A_151 = vector.shape_cast %reduce_min3A_150 : vector<1xi32> to vector<1x1x1xi32>
      %reduce_min3A_152 = vector.extract %reduce_min3A_151[0, 0, 0] : i32 from vector<1x1x1xi32>
      %min3A_153 = arith.minsi %reduce_min3A_142, %reduce_min3A_152 : i32
      %eq3A_154 = vector.broadcast %reduce_min3A_132 : f32 to vector<16x128xf32>
      %eq3A_155 = arith.cmpf oeq, %get3A_111, %eq3A_154 : vector<16x128xf32>
      %jit3A_156 = arith.constant 2147483647 : i32
      %broadcast_in_dim3A_157 = vector.broadcast %jit3A_156 : i32 to vector<16x128xi32>
      %select_n3A_158 = arith.select %eq3A_155, %get3A_123, %broadcast_in_dim3A_157 : vector<16x128xi1>, vector<16x128xi32>
      %reduce_min3A_159 = vector.shape_cast %select_n3A_158 : vector<16x128xi32> to vector<1x16x128xi32>
      %reduce_min3A_160 = arith.constant dense<2147483647> : vector<1xi32>
      %reduce_min3A_161 = vector.multi_reduction <minsi>, %reduce_min3A_159, %reduce_min3A_160 [1, 2] : vector<1x16x128xi32> to vector<1xi32>
      %reduce_min3A_162 = vector.shape_cast %reduce_min3A_161 : vector<1xi32> to vector<1x1x1xi32>
      %reduce_min3A_163 = vector.extract %reduce_min3A_162[0, 0, 0] : i32 from vector<1x1x1xi32>
      %eq3A_164 = vector.broadcast %reduce_min3A_132 : f32 to vector<16x128xf32>
      %eq3A_165 = arith.cmpf oeq, %get3A_114, %eq3A_164 : vector<16x128xf32>
      %jit3A_166 = arith.constant 2147483647 : i32
      %broadcast_in_dim3A_167 = vector.broadcast %jit3A_166 : i32 to vector<16x128xi32>
      %select_n3A_168 = arith.select %eq3A_165, %get3A_126, %broadcast_in_dim3A_167 : vector<16x128xi1>, vector<16x128xi32>
      %reduce_min3A_169 = vector.shape_cast %select_n3A_168 : vector<16x128xi32> to vector<1x16x128xi32>
      %reduce_min3A_170 = arith.constant dense<2147483647> : vector<1xi32>
      %reduce_min3A_171 = vector.multi_reduction <minsi>, %reduce_min3A_169, %reduce_min3A_170 [1, 2] : vector<1x16x128xi32> to vector<1xi32>
      %reduce_min3A_172 = vector.shape_cast %reduce_min3A_171 : vector<1xi32> to vector<1x1x1xi32>
      %reduce_min3A_173 = vector.extract %reduce_min3A_172[0, 0, 0] : i32 from vector<1x1x1xi32>
      %min3A_174 = arith.minsi %reduce_min3A_163, %reduce_min3A_173 : i32
      %min3A_175 = arith.minsi %min3A_153, %min3A_174 : i32
      %eq3A_176 = vector.broadcast %min3A_175 : i32 to vector<16x128xi32>
      %eq3A_177 = arith.cmpi eq, %get3A_117, %eq3A_176 : vector<16x128xi32>
      %jit3A_178 = arith.constant 0x7F800000 : f32
      %broadcast_in_dim3A_179 = vector.broadcast %jit3A_178 : f32 to vector<16x128xf32>
      %select_n3A_180 = arith.select %eq3A_177, %broadcast_in_dim3A_179, %get3A_105 : vector<16x128xi1>, vector<16x128xf32>
      %eq3A_181 = vector.broadcast %min3A_175 : i32 to vector<16x128xi32>
      %eq3A_182 = arith.cmpi eq, %get3A_120, %eq3A_181 : vector<16x128xi32>
      %jit3A_183 = arith.constant 0x7F800000 : f32
      %broadcast_in_dim3A_184 = vector.broadcast %jit3A_183 : f32 to vector<16x128xf32>
      %select_n3A_185 = arith.select %eq3A_182, %broadcast_in_dim3A_184, %get3A_108 : vector<16x128xi1>, vector<16x128xf32>
      %eq3A_186 = vector.broadcast %min3A_175 : i32 to vector<16x128xi32>
      %eq3A_187 = arith.cmpi eq, %get3A_123, %eq3A_186 : vector<16x128xi32>
      %jit3A_188 = arith.constant 0x7F800000 : f32
      %broadcast_in_dim3A_189 = vector.broadcast %jit3A_188 : f32 to vector<16x128xf32>
      %select_n3A_190 = arith.select %eq3A_187, %broadcast_in_dim3A_189, %get3A_111 : vector<16x128xi1>, vector<16x128xf32>
      %eq3A_191 = vector.broadcast %min3A_175 : i32 to vector<16x128xi32>
      %eq3A_192 = arith.cmpi eq, %get3A_126, %eq3A_191 : vector<16x128xi32>
      %jit3A_193 = arith.constant 0x7F800000 : f32
      %broadcast_in_dim3A_194 = vector.broadcast %jit3A_193 : f32 to vector<16x128xf32>
      %select_n3A_195 = arith.select %eq3A_192, %broadcast_in_dim3A_194, %get3A_114 : vector<16x128xi1>, vector<16x128xf32>
      %min3A_196 = arith.minimumf %select_n3A_180, %select_n3A_185 : vector<16x128xf32>
      %min3A_197 = arith.minimumf %select_n3A_190, %select_n3A_195 : vector<16x128xf32>
      %min3A_198 = arith.minimumf %min3A_196, %min3A_197 : vector<16x128xf32>
      %reduce_min3A_199 = vector.shape_cast %min3A_198 : vector<16x128xf32> to vector<1x16x128xf32>
      %reduce_min3A_200 = arith.constant dense<0x7F800000> : vector<1xf32>
      %reduce_min3A_201 = vector.multi_reduction <minimumf>, %reduce_min3A_199, %reduce_min3A_200 [1, 2] : vector<1x16x128xf32> to vector<1xf32>
      %reduce_min3A_202 = vector.shape_cast %reduce_min3A_201 : vector<1xf32> to vector<1x1x1xf32>
      %reduce_min3A_203 = vector.extract %reduce_min3A_202[0, 0, 0] : f32 from vector<1x1x1xf32>
      %eq3A_204 = vector.broadcast %reduce_min3A_203 : f32 to vector<16x128xf32>
      %eq3A_205 = arith.cmpf oeq, %select_n3A_180, %eq3A_204 : vector<16x128xf32>
      %jit3A_206 = arith.constant 2147483647 : i32
      %broadcast_in_dim3A_207 = vector.broadcast %jit3A_206 : i32 to vector<16x128xi32>
      %select_n3A_208 = arith.select %eq3A_205, %get3A_117, %broadcast_in_dim3A_207 : vector<16x128xi1>, vector<16x128xi32>
      %reduce_min3A_209 = vector.shape_cast %select_n3A_208 : vector<16x128xi32> to vector<1x16x128xi32>
      %reduce_min3A_210 = arith.constant dense<2147483647> : vector<1xi32>
      %reduce_min3A_211 = vector.multi_reduction <minsi>, %reduce_min3A_209, %reduce_min3A_210 [1, 2] : vector<1x16x128xi32> to vector<1xi32>
      %reduce_min3A_212 = vector.shape_cast %reduce_min3A_211 : vector<1xi32> to vector<1x1x1xi32>
      %reduce_min3A_213 = vector.extract %reduce_min3A_212[0, 0, 0] : i32 from vector<1x1x1xi32>
      %eq3A_214 = vector.broadcast %reduce_min3A_203 : f32 to vector<16x128xf32>
      %eq3A_215 = arith.cmpf oeq, %select_n3A_185, %eq3A_214 : vector<16x128xf32>
      %jit3A_216 = arith.constant 2147483647 : i32
      %broadcast_in_dim3A_217 = vector.broadcast %jit3A_216 : i32 to vector<16x128xi32>
      %select_n3A_218 = arith.select %eq3A_215, %get3A_120, %broadcast_in_dim3A_217 : vector<16x128xi1>, vector<16x128xi32>
      %reduce_min3A_219 = vector.shape_cast %select_n3A_218 : vector<16x128xi32> to vector<1x16x128xi32>
      %reduce_min3A_220 = arith.constant dense<2147483647> : vector<1xi32>
      %reduce_min3A_221 = vector.multi_reduction <minsi>, %reduce_min3A_219, %reduce_min3A_220 [1, 2] : vector<1x16x128xi32> to vector<1xi32>
      %reduce_min3A_222 = vector.shape_cast %reduce_min3A_221 : vector<1xi32> to vector<1x1x1xi32>
      %reduce_min3A_223 = vector.extract %reduce_min3A_222[0, 0, 0] : i32 from vector<1x1x1xi32>
      %min3A_224 = arith.minsi %reduce_min3A_213, %reduce_min3A_223 : i32
      %eq3A_225 = vector.broadcast %reduce_min3A_203 : f32 to vector<16x128xf32>
      %eq3A_226 = arith.cmpf oeq, %select_n3A_190, %eq3A_225 : vector<16x128xf32>
      %jit3A_227 = arith.constant 2147483647 : i32
      %broadcast_in_dim3A_228 = vector.broadcast %jit3A_227 : i32 to vector<16x128xi32>
      %select_n3A_229 = arith.select %eq3A_226, %get3A_123, %broadcast_in_dim3A_228 : vector<16x128xi1>, vector<16x128xi32>
      %reduce_min3A_230 = vector.shape_cast %select_n3A_229 : vector<16x128xi32> to vector<1x16x128xi32>
      %reduce_min3A_231 = arith.constant dense<2147483647> : vector<1xi32>
      %reduce_min3A_232 = vector.multi_reduction <minsi>, %reduce_min3A_230, %reduce_min3A_231 [1, 2] : vector<1x16x128xi32> to vector<1xi32>
      %reduce_min3A_233 = vector.shape_cast %reduce_min3A_232 : vector<1xi32> to vector<1x1x1xi32>
      %reduce_min3A_234 = vector.extract %reduce_min3A_233[0, 0, 0] : i32 from vector<1x1x1xi32>
      %eq3A_235 = vector.broadcast %reduce_min3A_203 : f32 to vector<16x128xf32>
      %eq3A_236 = arith.cmpf oeq, %select_n3A_195, %eq3A_235 : vector<16x128xf32>
      %jit3A_237 = arith.constant 2147483647 : i32
      %broadcast_in_dim3A_238 = vector.broadcast %jit3A_237 : i32 to vector<16x128xi32>
      %select_n3A_239 = arith.select %eq3A_236, %get3A_126, %broadcast_in_dim3A_238 : vector<16x128xi1>, vector<16x128xi32>
      %reduce_min3A_240 = vector.shape_cast %select_n3A_239 : vector<16x128xi32> to vector<1x16x128xi32>
      %reduce_min3A_241 = arith.constant dense<2147483647> : vector<1xi32>
      %reduce_min3A_242 = vector.multi_reduction <minsi>, %reduce_min3A_240, %reduce_min3A_241 [1, 2] : vector<1x16x128xi32> to vector<1xi32>
      %reduce_min3A_243 = vector.shape_cast %reduce_min3A_242 : vector<1xi32> to vector<1x1x1xi32>
      %reduce_min3A_244 = vector.extract %reduce_min3A_243[0, 0, 0] : i32 from vector<1x1x1xi32>
      %min3A_245 = arith.minsi %reduce_min3A_234, %reduce_min3A_244 : i32
      %min3A_246 = arith.minsi %min3A_224, %min3A_245 : i32
      %eq3A_247 = vector.broadcast %min3A_246 : i32 to vector<16x128xi32>
      %eq3A_248 = arith.cmpi eq, %get3A_117, %eq3A_247 : vector<16x128xi32>
      %jit3A_249 = arith.constant 0x7F800000 : f32
      %broadcast_in_dim3A_250 = vector.broadcast %jit3A_249 : f32 to vector<16x128xf32>
      %select_n3A_251 = arith.select %eq3A_248, %broadcast_in_dim3A_250, %select_n3A_180 : vector<16x128xi1>, vector<16x128xf32>
      %eq3A_252 = vector.broadcast %min3A_246 : i32 to vector<16x128xi32>
      %eq3A_253 = arith.cmpi eq, %get3A_120, %eq3A_252 : vector<16x128xi32>
      %jit3A_254 = arith.constant 0x7F800000 : f32
      %broadcast_in_dim3A_255 = vector.broadcast %jit3A_254 : f32 to vector<16x128xf32>
      %select_n3A_256 = arith.select %eq3A_253, %broadcast_in_dim3A_255, %select_n3A_185 : vector<16x128xi1>, vector<16x128xf32>
      %eq3A_257 = vector.broadcast %min3A_246 : i32 to vector<16x128xi32>
      %eq3A_258 = arith.cmpi eq, %get3A_123, %eq3A_257 : vector<16x128xi32>
      %jit3A_259 = arith.constant 0x7F800000 : f32
      %broadcast_in_dim3A_260 = vector.broadcast %jit3A_259 : f32 to vector<16x128xf32>
      %select_n3A_261 = arith.select %eq3A_258, %broadcast_in_dim3A_260, %select_n3A_190 : vector<16x128xi1>, vector<16x128xf32>
      %eq3A_262 = vector.broadcast %min3A_246 : i32 to vector<16x128xi32>
      %eq3A_263 = arith.cmpi eq, %get3A_126, %eq3A_262 : vector<16x128xi32>
      %jit3A_264 = arith.constant 0x7F800000 : f32
      %broadcast_in_dim3A_265 = vector.broadcast %jit3A_264 : f32 to vector<16x128xf32>
      %select_n3A_266 = arith.select %eq3A_263, %broadcast_in_dim3A_265, %select_n3A_195 : vector<16x128xi1>, vector<16x128xf32>
      %min3A_267 = arith.minimumf %select_n3A_251, %select_n3A_256 : vector<16x128xf32>
      %min3A_268 = arith.minimumf %select_n3A_261, %select_n3A_266 : vector<16x128xf32>
      %min3A_269 = arith.minimumf %min3A_267, %min3A_268 : vector<16x128xf32>
      %reduce_min3A_270 = vector.shape_cast %min3A_269 : vector<16x128xf32> to vector<1x16x128xf32>
      %reduce_min3A_271 = arith.constant dense<0x7F800000> : vector<1xf32>
      %reduce_min3A_272 = vector.multi_reduction <minimumf>, %reduce_min3A_270, %reduce_min3A_271 [1, 2] : vector<1x16x128xf32> to vector<1xf32>
      %reduce_min3A_273 = vector.shape_cast %reduce_min3A_272 : vector<1xf32> to vector<1x1x1xf32>
      %reduce_min3A_274 = vector.extract %reduce_min3A_273[0, 0, 0] : f32 from vector<1x1x1xf32>
      %eq3A_275 = vector.broadcast %reduce_min3A_274 : f32 to vector<16x128xf32>
      %eq3A_276 = arith.cmpf oeq, %select_n3A_251, %eq3A_275 : vector<16x128xf32>
      %jit3A_277 = arith.constant 2147483647 : i32
      %broadcast_in_dim3A_278 = vector.broadcast %jit3A_277 : i32 to vector<16x128xi32>
      %select_n3A_279 = arith.select %eq3A_276, %get3A_117, %broadcast_in_dim3A_278 : vector<16x128xi1>, vector<16x128xi32>
      %reduce_min3A_280 = vector.shape_cast %select_n3A_279 : vector<16x128xi32> to vector<1x16x128xi32>
      %reduce_min3A_281 = arith.constant dense<2147483647> : vector<1xi32>
      %reduce_min3A_282 = vector.multi_reduction <minsi>, %reduce_min3A_280, %reduce_min3A_281 [1, 2] : vector<1x16x128xi32> to vector<1xi32>
      %reduce_min3A_283 = vector.shape_cast %reduce_min3A_282 : vector<1xi32> to vector<1x1x1xi32>
      %reduce_min3A_284 = vector.extract %reduce_min3A_283[0, 0, 0] : i32 from vector<1x1x1xi32>
      %eq3A_285 = vector.broadcast %reduce_min3A_274 : f32 to vector<16x128xf32>
      %eq3A_286 = arith.cmpf oeq, %select_n3A_256, %eq3A_285 : vector<16x128xf32>
      %jit3A_287 = arith.constant 2147483647 : i32
      %broadcast_in_dim3A_288 = vector.broadcast %jit3A_287 : i32 to vector<16x128xi32>
      %select_n3A_289 = arith.select %eq3A_286, %get3A_120, %broadcast_in_dim3A_288 : vector<16x128xi1>, vector<16x128xi32>
      %reduce_min3A_290 = vector.shape_cast %select_n3A_289 : vector<16x128xi32> to vector<1x16x128xi32>
      %reduce_min3A_291 = arith.constant dense<2147483647> : vector<1xi32>
      %reduce_min3A_292 = vector.multi_reduction <minsi>, %reduce_min3A_290, %reduce_min3A_291 [1, 2] : vector<1x16x128xi32> to vector<1xi32>
      %reduce_min3A_293 = vector.shape_cast %reduce_min3A_292 : vector<1xi32> to vector<1x1x1xi32>
      %reduce_min3A_294 = vector.extract %reduce_min3A_293[0, 0, 0] : i32 from vector<1x1x1xi32>
      %min3A_295 = arith.minsi %reduce_min3A_284, %reduce_min3A_294 : i32
      %eq3A_296 = vector.broadcast %reduce_min3A_274 : f32 to vector<16x128xf32>
      %eq3A_297 = arith.cmpf oeq, %select_n3A_261, %eq3A_296 : vector<16x128xf32>
      %jit3A_298 = arith.constant 2147483647 : i32
      %broadcast_in_dim3A_299 = vector.broadcast %jit3A_298 : i32 to vector<16x128xi32>
      %select_n3A_300 = arith.select %eq3A_297, %get3A_123, %broadcast_in_dim3A_299 : vector<16x128xi1>, vector<16x128xi32>
      %reduce_min3A_301 = vector.shape_cast %select_n3A_300 : vector<16x128xi32> to vector<1x16x128xi32>
      %reduce_min3A_302 = arith.constant dense<2147483647> : vector<1xi32>
      %reduce_min3A_303 = vector.multi_reduction <minsi>, %reduce_min3A_301, %reduce_min3A_302 [1, 2] : vector<1x16x128xi32> to vector<1xi32>
      %reduce_min3A_304 = vector.shape_cast %reduce_min3A_303 : vector<1xi32> to vector<1x1x1xi32>
      %reduce_min3A_305 = vector.extract %reduce_min3A_304[0, 0, 0] : i32 from vector<1x1x1xi32>
      %eq3A_306 = vector.broadcast %reduce_min3A_274 : f32 to vector<16x128xf32>
      %eq3A_307 = arith.cmpf oeq, %select_n3A_266, %eq3A_306 : vector<16x128xf32>
      %jit3A_308 = arith.constant 2147483647 : i32
      %broadcast_in_dim3A_309 = vector.broadcast %jit3A_308 : i32 to vector<16x128xi32>
      %select_n3A_310 = arith.select %eq3A_307, %get3A_126, %broadcast_in_dim3A_309 : vector<16x128xi1>, vector<16x128xi32>
      %reduce_min3A_311 = vector.shape_cast %select_n3A_310 : vector<16x128xi32> to vector<1x16x128xi32>
      %reduce_min3A_312 = arith.constant dense<2147483647> : vector<1xi32>
      %reduce_min3A_313 = vector.multi_reduction <minsi>, %reduce_min3A_311, %reduce_min3A_312 [1, 2] : vector<1x16x128xi32> to vector<1xi32>
      %reduce_min3A_314 = vector.shape_cast %reduce_min3A_313 : vector<1xi32> to vector<1x1x1xi32>
      %reduce_min3A_315 = vector.extract %reduce_min3A_314[0, 0, 0] : i32 from vector<1x1x1xi32>
      %min3A_316 = arith.minsi %reduce_min3A_305, %reduce_min3A_315 : i32
      %min3A_317 = arith.minsi %min3A_295, %min3A_316 : i32
      %eq3A_318 = vector.broadcast %min3A_317 : i32 to vector<16x128xi32>
      %eq3A_319 = arith.cmpi eq, %get3A_117, %eq3A_318 : vector<16x128xi32>
      %jit3A_320 = arith.constant 0x7F800000 : f32
      %broadcast_in_dim3A_321 = vector.broadcast %jit3A_320 : f32 to vector<16x128xf32>
      %select_n3A_322 = arith.select %eq3A_319, %broadcast_in_dim3A_321, %select_n3A_251 : vector<16x128xi1>, vector<16x128xf32>
      %eq3A_323 = vector.broadcast %min3A_317 : i32 to vector<16x128xi32>
      %eq3A_324 = arith.cmpi eq, %get3A_120, %eq3A_323 : vector<16x128xi32>
      %jit3A_325 = arith.constant 0x7F800000 : f32
      %broadcast_in_dim3A_326 = vector.broadcast %jit3A_325 : f32 to vector<16x128xf32>
      %select_n3A_327 = arith.select %eq3A_324, %broadcast_in_dim3A_326, %select_n3A_256 : vector<16x128xi1>, vector<16x128xf32>
      %eq3A_328 = vector.broadcast %min3A_317 : i32 to vector<16x128xi32>
      %eq3A_329 = arith.cmpi eq, %get3A_123, %eq3A_328 : vector<16x128xi32>
      %jit3A_330 = arith.constant 0x7F800000 : f32
      %broadcast_in_dim3A_331 = vector.broadcast %jit3A_330 : f32 to vector<16x128xf32>
      %select_n3A_332 = arith.select %eq3A_329, %broadcast_in_dim3A_331, %select_n3A_261 : vector<16x128xi1>, vector<16x128xf32>
      %eq3A_333 = vector.broadcast %min3A_317 : i32 to vector<16x128xi32>
      %eq3A_334 = arith.cmpi eq, %get3A_126, %eq3A_333 : vector<16x128xi32>
      %jit3A_335 = arith.constant 0x7F800000 : f32
      %broadcast_in_dim3A_336 = vector.broadcast %jit3A_335 : f32 to vector<16x128xf32>
      %select_n3A_337 = arith.select %eq3A_334, %broadcast_in_dim3A_336, %select_n3A_266 : vector<16x128xi1>, vector<16x128xf32>
      %min3A_338 = arith.minimumf %select_n3A_322, %select_n3A_327 : vector<16x128xf32>
      %min3A_339 = arith.minimumf %select_n3A_332, %select_n3A_337 : vector<16x128xf32>
      %min3A_340 = arith.minimumf %min3A_338, %min3A_339 : vector<16x128xf32>
      %reduce_min3A_341 = vector.shape_cast %min3A_340 : vector<16x128xf32> to vector<1x16x128xf32>
      %reduce_min3A_342 = arith.constant dense<0x7F800000> : vector<1xf32>
      %reduce_min3A_343 = vector.multi_reduction <minimumf>, %reduce_min3A_341, %reduce_min3A_342 [1, 2] : vector<1x16x128xf32> to vector<1xf32>
      %reduce_min3A_344 = vector.shape_cast %reduce_min3A_343 : vector<1xf32> to vector<1x1x1xf32>
      %reduce_min3A_345 = vector.extract %reduce_min3A_344[0, 0, 0] : f32 from vector<1x1x1xf32>
      %eq3A_346 = vector.broadcast %reduce_min3A_345 : f32 to vector<16x128xf32>
      %eq3A_347 = arith.cmpf oeq, %select_n3A_322, %eq3A_346 : vector<16x128xf32>
      %jit3A_348 = arith.constant 2147483647 : i32
      %broadcast_in_dim3A_349 = vector.broadcast %jit3A_348 : i32 to vector<16x128xi32>
      %select_n3A_350 = arith.select %eq3A_347, %get3A_117, %broadcast_in_dim3A_349 : vector<16x128xi1>, vector<16x128xi32>
      %reduce_min3A_351 = vector.shape_cast %select_n3A_350 : vector<16x128xi32> to vector<1x16x128xi32>
      %reduce_min3A_352 = arith.constant dense<2147483647> : vector<1xi32>
      %reduce_min3A_353 = vector.multi_reduction <minsi>, %reduce_min3A_351, %reduce_min3A_352 [1, 2] : vector<1x16x128xi32> to vector<1xi32>
      %reduce_min3A_354 = vector.shape_cast %reduce_min3A_353 : vector<1xi32> to vector<1x1x1xi32>
      %reduce_min3A_355 = vector.extract %reduce_min3A_354[0, 0, 0] : i32 from vector<1x1x1xi32>
      %eq3A_356 = vector.broadcast %reduce_min3A_345 : f32 to vector<16x128xf32>
      %eq3A_357 = arith.cmpf oeq, %select_n3A_327, %eq3A_356 : vector<16x128xf32>
      %jit3A_358 = arith.constant 2147483647 : i32
      %broadcast_in_dim3A_359 = vector.broadcast %jit3A_358 : i32 to vector<16x128xi32>
      %select_n3A_360 = arith.select %eq3A_357, %get3A_120, %broadcast_in_dim3A_359 : vector<16x128xi1>, vector<16x128xi32>
      %reduce_min3A_361 = vector.shape_cast %select_n3A_360 : vector<16x128xi32> to vector<1x16x128xi32>
      %reduce_min3A_362 = arith.constant dense<2147483647> : vector<1xi32>
      %reduce_min3A_363 = vector.multi_reduction <minsi>, %reduce_min3A_361, %reduce_min3A_362 [1, 2] : vector<1x16x128xi32> to vector<1xi32>
      %reduce_min3A_364 = vector.shape_cast %reduce_min3A_363 : vector<1xi32> to vector<1x1x1xi32>
      %reduce_min3A_365 = vector.extract %reduce_min3A_364[0, 0, 0] : i32 from vector<1x1x1xi32>
      %min3A_366 = arith.minsi %reduce_min3A_355, %reduce_min3A_365 : i32
      %eq3A_367 = vector.broadcast %reduce_min3A_345 : f32 to vector<16x128xf32>
      %eq3A_368 = arith.cmpf oeq, %select_n3A_332, %eq3A_367 : vector<16x128xf32>
      %jit3A_369 = arith.constant 2147483647 : i32
      %broadcast_in_dim3A_370 = vector.broadcast %jit3A_369 : i32 to vector<16x128xi32>
      %select_n3A_371 = arith.select %eq3A_368, %get3A_123, %broadcast_in_dim3A_370 : vector<16x128xi1>, vector<16x128xi32>
      %reduce_min3A_372 = vector.shape_cast %select_n3A_371 : vector<16x128xi32> to vector<1x16x128xi32>
      %reduce_min3A_373 = arith.constant dense<2147483647> : vector<1xi32>
      %reduce_min3A_374 = vector.multi_reduction <minsi>, %reduce_min3A_372, %reduce_min3A_373 [1, 2] : vector<1x16x128xi32> to vector<1xi32>
      %reduce_min3A_375 = vector.shape_cast %reduce_min3A_374 : vector<1xi32> to vector<1x1x1xi32>
      %reduce_min3A_376 = vector.extract %reduce_min3A_375[0, 0, 0] : i32 from vector<1x1x1xi32>
      %eq3A_377 = vector.broadcast %reduce_min3A_345 : f32 to vector<16x128xf32>
      %eq3A_378 = arith.cmpf oeq, %select_n3A_337, %eq3A_377 : vector<16x128xf32>
      %jit3A_379 = arith.constant 2147483647 : i32
      %broadcast_in_dim3A_380 = vector.broadcast %jit3A_379 : i32 to vector<16x128xi32>
      %select_n3A_381 = arith.select %eq3A_378, %get3A_126, %broadcast_in_dim3A_380 : vector<16x128xi1>, vector<16x128xi32>
      %reduce_min3A_382 = vector.shape_cast %select_n3A_381 : vector<16x128xi32> to vector<1x16x128xi32>
      %reduce_min3A_383 = arith.constant dense<2147483647> : vector<1xi32>
      %reduce_min3A_384 = vector.multi_reduction <minsi>, %reduce_min3A_382, %reduce_min3A_383 [1, 2] : vector<1x16x128xi32> to vector<1xi32>
      %reduce_min3A_385 = vector.shape_cast %reduce_min3A_384 : vector<1xi32> to vector<1x1x1xi32>
      %reduce_min3A_386 = vector.extract %reduce_min3A_385[0, 0, 0] : i32 from vector<1x1x1xi32>
      %min3A_387 = arith.minsi %reduce_min3A_376, %reduce_min3A_386 : i32
      %min3A_388 = arith.minsi %min3A_366, %min3A_387 : i32
      %get3A_389 = arith.index_cast %arg0 : i32 to index
      %get3A_390 = arith.constant 0 : index
      %get3A_391 = vector.load %arg12[%get3A_389, %get3A_390] : memref<8x128xf32, #tpu.memory_space<vmem>>, vector<1x32xf32>
      %get3A_392 = vector.shape_cast %get3A_391 : vector<1x32xf32> to vector<32xf32>
      %mul3A_393 = arith.mulf %get3A_392, %get3A_392 : vector<32xf32>
      %reduce_sum3A_394 = vector.shape_cast %mul3A_393 : vector<32xf32> to vector<1x32xf32>
      %reduce_sum3A_395 = arith.constant dense<0.000000e+00> : vector<1xf32>
      %reduce_sum3A_396 = vector.multi_reduction <add>, %reduce_sum3A_394, %reduce_sum3A_395 [1] : vector<1x32xf32> to vector<1xf32>
      %reduce_sum3A_397 = vector.shape_cast %reduce_sum3A_396 : vector<1xf32> to vector<1x1xf32>
      %reduce_sum3A_398 = vector.extract %reduce_sum3A_397[0, 0] : f32 from vector<1x1xf32>
      %iota3A_399 = tpu.iota {dimensions = array<i32: 1>} : vector<1x128xi32>
      %broadcast_in_dim3A_400 = arith.constant 0.000000e+00 : f32
      %broadcast_in_dim3A_401 = vector.broadcast %broadcast_in_dim3A_400 : f32 to vector<1x128xf32>
      %eq3A_402 = arith.constant 0 : i32
      %eq3A_403 = vector.broadcast %eq3A_402 : i32 to vector<1x128xi32>
      %eq3A_404 = arith.cmpi eq, %iota3A_399, %eq3A_403 : vector<1x128xi32>
      %add3A_405 = arith.addf %reduce_min3A_132, %reduce_sum3A_398 : f32
      %broadcast_in_dim3A_406 = vector.broadcast %add3A_405 : f32 to vector<1x128xf32>
      %select_n3A_407 = arith.select %eq3A_404, %broadcast_in_dim3A_406, %broadcast_in_dim3A_401 : vector<1x128xi1>, vector<1x128xf32>
      %eq3A_408 = arith.constant 1 : i32
      %eq3A_409 = vector.broadcast %eq3A_408 : i32 to vector<1x128xi32>
      %eq3A_410 = arith.cmpi eq, %iota3A_399, %eq3A_409 : vector<1x128xi32>
      %add3A_411 = arith.addf %reduce_min3A_203, %reduce_sum3A_398 : f32
      %broadcast_in_dim3A_412 = vector.broadcast %add3A_411 : f32 to vector<1x128xf32>
      %select_n3A_413 = arith.select %eq3A_410, %broadcast_in_dim3A_412, %select_n3A_407 : vector<1x128xi1>, vector<1x128xf32>
      %eq3A_414 = arith.constant 2 : i32
      %eq3A_415 = vector.broadcast %eq3A_414 : i32 to vector<1x128xi32>
      %eq3A_416 = arith.cmpi eq, %iota3A_399, %eq3A_415 : vector<1x128xi32>
      %add3A_417 = arith.addf %reduce_min3A_274, %reduce_sum3A_398 : f32
      %broadcast_in_dim3A_418 = vector.broadcast %add3A_417 : f32 to vector<1x128xf32>
      %select_n3A_419 = arith.select %eq3A_416, %broadcast_in_dim3A_418, %select_n3A_413 : vector<1x128xi1>, vector<1x128xf32>
      %eq3A_420 = arith.constant 3 : i32
      %eq3A_421 = vector.broadcast %eq3A_420 : i32 to vector<1x128xi32>
      %eq3A_422 = arith.cmpi eq, %iota3A_399, %eq3A_421 : vector<1x128xi32>
      %add3A_423 = arith.addf %reduce_min3A_345, %reduce_sum3A_398 : f32
      %broadcast_in_dim3A_424 = vector.broadcast %add3A_423 : f32 to vector<1x128xf32>
      %select_n3A_425 = arith.select %eq3A_422, %broadcast_in_dim3A_424, %select_n3A_419 : vector<1x128xi1>, vector<1x128xf32>
      %max3A = arith.constant 0.000000e+00 : f32
      %max3A_426 = vector.broadcast %max3A : f32 to vector<1x128xf32>
      %max3A_427 = arith.maximumf %select_n3A_425, %max3A_426 : vector<1x128xf32>
      %sqrt3A = math.sqrt %max3A_427 : vector<1x128xf32>
      %lt3A_428 = arith.constant 4 : i32
      %lt3A_429 = vector.broadcast %lt3A_428 : i32 to vector<1x128xi32>
      %lt3A_430 = arith.cmpi slt, %iota3A_399, %lt3A_429 : vector<1x128xi32>
      %jit3A_431 = arith.constant 0.000000e+00 : f32
      %broadcast_in_dim3A_432 = vector.broadcast %jit3A_431 : f32 to vector<1x128xf32>
      %select_n3A_433 = arith.select %lt3A_430, %sqrt3A, %broadcast_in_dim3A_432 : vector<1x128xi1>, vector<1x128xf32>
      %reduce_max3A = vector.shape_cast %select_n3A_433 : vector<1x128xf32> to vector<1x1x128xf32>
      %reduce_max3A_434 = arith.constant dense<0xFF800000> : vector<1xf32>
      %reduce_max3A_435 = vector.multi_reduction <maximumf>, %reduce_max3A, %reduce_max3A_434 [1, 2] : vector<1x1x128xf32> to vector<1xf32>
      %reduce_max3A_436 = vector.shape_cast %reduce_max3A_435 : vector<1xf32> to vector<1x1x1xf32>
      %reduce_max3A_437 = vector.extract %reduce_max3A_436[0, 0, 0] : f32 from vector<1x1x1xf32>
      %max3A_438 = arith.constant 9.99999993E-9 : f32
      %max3A_439 = arith.maximumf %reduce_max3A_437, %max3A_438 : f32
      %div3A = vector.broadcast %max3A_439 : f32 to vector<1x128xf32>
      %div3A_440 = arith.divf %select_n3A_433, %div3A : vector<1x128xf32>
      %slice3A = vector.extract_strided_slice %div3A_440 {offsets = [0, 0], sizes = [1, 5], strides = [1, 1]} : vector<1x128xf32> to vector<1x5xf32>
      %swap3A_441 = arith.constant 0 : index
      %swap3A_442 = arith.constant 0 : index
      %swap3A_443 = arith.constant 0 : index
      %swap3A_444 = vector.load %arg10[%swap3A_441, %swap3A_442, %swap3A_443] : memref<1x1x5xf32, #tpu.memory_space<vmem>>, vector<1x1x5xf32>
      %swap3A_445 = vector.shape_cast %swap3A_444 : vector<1x1x5xf32> to vector<1x5xf32>
      %swap3A_446 = vector.shape_cast %slice3A : vector<1x5xf32> to vector<1x1x5xf32>
      tpu.vector_store %arg10[%swap3A_441, %swap3A_442, %swap3A_443], %swap3A_446 {strides = array<i32>} : memref<1x1x5xf32, #tpu.memory_space<vmem>>, vector<1x1x5xf32>,
      %swap3A_447 = arith.index_cast %arg0 : i32 to index
      %swap3A_448 = arith.constant 0 : index
      %swap3A_449 = memref.load %arg9[%swap3A_447, %swap3A_448] : memref<8x5xi32, #tpu.memory_space<smem>>
      memref.store %min3A_175, %arg9[%swap3A_447, %swap3A_448] : memref<8x5xi32, #tpu.memory_space<smem>>
      %swap3A_450 = arith.index_cast %arg0 : i32 to index
      %swap3A_451 = arith.constant 1 : index
      %swap3A_452 = memref.load %arg9[%swap3A_450, %swap3A_451] : memref<8x5xi32, #tpu.memory_space<smem>>
      memref.store %min3A_246, %arg9[%swap3A_450, %swap3A_451] : memref<8x5xi32, #tpu.memory_space<smem>>
      %swap3A_453 = arith.index_cast %arg0 : i32 to index
      %swap3A_454 = arith.constant 2 : index
      %swap3A_455 = memref.load %arg9[%swap3A_453, %swap3A_454] : memref<8x5xi32, #tpu.memory_space<smem>>
      memref.store %min3A_317, %arg9[%swap3A_453, %swap3A_454] : memref<8x5xi32, #tpu.memory_space<smem>>
      %swap3A_456 = arith.index_cast %arg0 : i32 to index
      %swap3A_457 = arith.constant 3 : index
      %swap3A_458 = memref.load %arg9[%swap3A_456, %swap3A_457] : memref<8x5xi32, #tpu.memory_space<smem>>
      memref.store %min3A_388, %arg9[%swap3A_456, %swap3A_457] : memref<8x5xi32, #tpu.memory_space<smem>>
      %get3A_459 = arith.index_cast %arg0 : i32 to index
      %get3A_460 = memref.load %arg7[%get3A_459] : memref<8xi32, #tpu.memory_space<smem>>
      %swap3A_461 = arith.index_cast %arg0 : i32 to index
      %swap3A_462 = arith.constant 4 : index
      %swap3A_463 = memref.load %arg9[%swap3A_461, %swap3A_462] : memref<8x5xi32, #tpu.memory_space<smem>>
      memref.store %get3A_460, %arg9[%swap3A_461, %swap3A_462] : memref<8x5xi32, #tpu.memory_space<smem>>
    } else {
    }
    return
  }
  func.func @transform_0(%arg0: i32, %arg1: i32) -> (i32, i32) {
    %c0_i32 = arith.constant 0 : i32
    %c0_i32_0 = arith.constant 0 : i32
    %c0_i32_1 = arith.constant 0 : i32
    return %c0_i32, %c0_i32_0 : i32, i32
  }
  func.func @transform_1(%arg0: i32, %arg1: i32) -> (i32, i32) {
    %c0_i32 = arith.constant 0 : i32
    %c0_i32_0 = arith.constant 0 : i32
    %c0_i32_1 = arith.constant 0 : i32
    return %c0_i32, %c0_i32_0 : i32, i32
  }
  func.func @transform_2(%arg0: i32, %arg1: i32) -> (i32, i32) {
    %c0_i32 = arith.constant 0 : i32
    %c0_i32_0 = arith.constant 0 : i32
    %c0_i32_1 = arith.constant 0 : i32
    return %c0_i32, %c0_i32_0 : i32, i32
  }
  func.func @transform_3(%arg0: i32, %arg1: i32) -> (i32, i32, i32) {
    %c0_i32 = arith.constant 0 : i32
    %c0_i32_0 = arith.constant 0 : i32
    %c0_i32_1 = arith.constant 0 : i32
    %c0_i32_2 = arith.constant 0 : i32
    return %c0_i32, %c0_i32_0, %c0_i32_1 : i32, i32, i32
  }
  func.func @transform_4(%arg0: i32, %arg1: i32) -> (i32, i32, i32) {
    %c0_i32 = arith.constant 0 : i32
    %c0_i32_0 = arith.constant 0 : i32
    %c0_i32_1 = arith.constant 0 : i32
    %c0_i32_2 = arith.constant 0 : i32
    return %c0_i32, %c0_i32_0, %c0_i32_1 : i32, i32, i32
  }
  func.func @transform_5(%arg0: i32, %arg1: i32) -> i32 {
    %c0_i32 = arith.constant 0 : i32
    %c0_i32_0 = arith.constant 0 : i32
    return %c0_i32 : i32
  }
  func.func @transform_6(%arg0: i32, %arg1: i32) -> (i32, i32, i32) {
    %c0_i32 = arith.constant 0 : i32
    %c0_i32_0 = arith.constant 0 : i32
    return %arg0, %arg1, %c0_i32 : i32, i32, i32
  }
  func.func @transform_7(%arg0: i32, %arg1: i32) -> (i32, i32) {
    %c0_i32 = arith.constant 0 : i32
    %c0_i32_0 = arith.constant 0 : i32
    %c0_i32_1 = arith.constant 0 : i32
    return %c0_i32, %c0_i32_0 : i32, i32
  }
  func.func @transform_8(%arg0: i32, %arg1: i32) -> (i32, i32, i32) {
    %c0_i32 = arith.constant 0 : i32
    %c0_i32_0 = arith.constant 0 : i32
    %c0_i32_1 = arith.constant 0 : i32
    return %arg0, %c0_i32, %c0_i32_0 : i32, i32, i32
  }
  func.func @transform_9(%arg0: i32, %arg1: i32) -> (i32, i32, i32) {
    %c0_i32 = arith.constant 0 : i32
    %c0_i32_0 = arith.constant 0 : i32
    %c0_i32_1 = arith.constant 0 : i32
    %c0_i32_2 = arith.constant 0 : i32
    return %c0_i32, %c0_i32_0, %c0_i32_1 : i32, i32, i32
  }
}

</mosaic_0001>

<sc_bundles>
// kernel: kernel.4.cloned.1.call-start
scs
__scs_entry_jumppad:
0x0: {  	(pc) =	sbr.rel $0x88, $3  }
0x1: {  	(tag) =	ssettag $0x0;
	lr =	simm.s32 $0x1  }
0x2: {  	[smem:$0x3F9A] =	sst lr;
	_ =	strace $0xD0000000  }
0x3: {  	_ = 	snop  }
0x4: {  	_ = 	snop  }
0x5: {  	_ = 	snop  }
0x6: {  	_ = 	snop  }
0x7: {  	_ = 	snop  }
__scs_overlays_trampoline_lowered:
0x8: {  	[smem:$0x3FA9] =	sst s0  }
0x9: {  	[smem:$0x3FAA] =	sst s1  }
0xa: {  	[smem:$0x3FAB] =	sst s2  }
0xb: {  	[smem:$0x3FAC] =	sst s3  }
0xc: {  	[smem:$0x3FAD] =	sst s4  }
0xd: {  	[smem:$0x3FAE] =	sst s5  }
0xe: {  	[smem:$0x3FAF] =	sst s6  }
0xf: {  	[smem:$0x3FB0] =	sst s7  }
0x10: {  	[smem:$0x3FB1] =	sst s8  }
0x11: {  	[smem:$0x3FB2] =	sst s9;
	s0 =	simm.s32 @!p0 $0x0  }
0x12: {  	s1 =	sld [smem:$0x3F98];
	s0 =	simm.s32 @p0 $0x1  }
0x13: {  	[smem:$0x3FB3] =	sst s0;
	s0 =	simm.s32 @!p1 $0x0  }
0x14: {  	s2 =	sld [smem:$0x3F97];
	s0 =	simm.s32 @p1 $0x1  }
0x15: {  	[smem:$0x3FB4] =	sst s0;
	s0 =	simm.s32 @!p2 $0x0  }
0x16: {  	s3 =	sld [smem:$0x3FDB];
	s0 =	simm.s32 @p2 $0x1  }
0x17: {  	s4 =	simm.s32 $0x1BF5;
	[smem:$0x3FB6] =	sst s0  }
0x18: {  	s0 =	sld [smem:$0x3F99];
	_ =	swait.ge [sflag:s4], $0x0  }
0x19: {  	s7 =	sld [smem:$0x3F9A]  }
0x1a: {  	s8 =	sadd.s32 $0xFFFFE003, lr  }
0x1b: {  	s9 =	sadd.s32 $0xFFFFFEF7, lr;
	s5 =	simm.s32 $0xFFFFFFFF;
	p2 =	slt.u32 s8, $0xFFFFF086  }
0x1c: {  	p1 =	slt.u32 s9, $0xF7A;
	s5 =	simm.s32 @!p2 $0x0  }
0x1d: {  	s5 =	simm.s32 @p1 $0x1;
	p0 =	seq.s32 s7, s2  }
0x1e: {  	s7 =	smul.u32 @!p0 $0xF7A, s2;
	p2 =	seq.s32 @!p0 s5, $0x0  }
0x1f: {  	s9 =	smul.u32 $0xF7A, s1;
	s8 =	simm.s32 @!p0 $0x1BF5;
	p2 =	por !p2, p0  }
0x20: {  	[sflag:s8] =	ssyncset.s32 @!p0 $0xFFFFF086;
	s6 =	sadd.s32 @!p0 s3, s7;
	s7 =	simm.s32 @!p0 $0x108  }
0x21: {  	s3 =	sadd.s32 s3, s9;
	s6 =	sadd.s32 @!p0 $0x88, s6;
	s7 =	simm.s32 @p2 $0x1082  }
0x22: {  	[simem:s7], [sflag:s8] =	dma.local @!p0 [hbm:s6], $0xF7A  }
0x23: {  	s9 =	sor.u32 $0xD0000000, s2;
	s6 =	simm.s32 $0x108;
	_ =	swait.ge @!p0 [sflag:s8], $0x0  }
0x24: {  	s3 =	sadd.s32 $0x88, s3;
	s6 =	simm.s32 @!p1 $0x1082;
	[sflag:s4] =	ssyncset.s32 $0xFFFFF086  }
0x25: {  	[simem:s6], [sflag:s4] =	dma.local [hbm:s3], $0xF7A  }
0x26: {  	[smem:$0x3F9A] =	sst s1;
	(tag) =	ssettag s2;
	_ =	strace s9  }
0x27: {  	s1 =	sld [smem:$0x3FAA]  }
0x28: {  	s2 =	sld [smem:$0x3FAB]  }
0x29: {  	s4 =	sld [smem:$0x3FAD]  }
0x2a: {  	p0 =	seq.s32 s5, $0x0;
	s5 =	sld [smem:$0x3FAE]  }
0x2b: {  	s6 =	sld [smem:$0x3FAF]  }
0x2c: {  	s7 =	sld [smem:$0x3FB0]  }
0x2d: {  	s3 =	simm.s32 $0x108;
	s8 =	sld [smem:$0x3FB1]  }
0x2e: {  	s3 =	simm.s32 @!p0 $0x1082;
	s9 =	sld [smem:$0x3FB2]  }
0x2f: {  	lr =	sadd.s32 s0, s3;
	s0 =	sld [smem:$0x3FA9]  }
0x30: {  	s3 =	sld [smem:$0x3FAC]  }
0x31: {  	[smem:$0x3FB5] =	sst s10  }
0x32: {  	s10 =	sld [smem:$0x3FB3];
	_ =	sdelay $0x3  }
0x33: {  	p0 =	seq.s32 s10, $0x1;
	s10 =	sld [smem:$0x3FB5];
	_ =	sdelay $0x3  }
0x34: {  	[smem:$0x3FB5] =	sst s10  }
0x35: {  	s10 =	sld [smem:$0x3FB4];
	_ =	sdelay $0x3  }
0x36: {  	p1 =	seq.s32 s10, $0x1;
	s10 =	sld [smem:$0x3FB5];
	_ =	sdelay $0x3  }
0x37: {  	[smem:$0x3FB5] =	sst s10  }
0x38: {  	s10 =	sld [smem:$0x3FB6]  }
0x39: {  	_ = 	snop;
	(pc) =	sbr.ind lr, $3  }
0x3a: {  	_ = 	snop  }
0x3b: {  	_ = 	snop  }
0x3c: {  	p2 =	seq.s32 s10, $0x1;
	s10 =	sld [smem:$0x3FB5]  }
0x3d: {  	_ =	shalt  }
0x3e: {  	_ =	shalt  }
0x3f: {  	_ =	shalt  }
0x40: {  	_ =	shalt  }
0x41: {  	_ =	shalt  }
0x42: {  	_ =	shalt  }
0x43: {  	_ =	shalt  }
0x44: {  	_ =	shalt  }
0x45: {  	_ =	shalt  }
0x46: {  	_ =	shalt  }
0x47: {  	_ =	shalt  }
0x48: {  	_ =	shalt  }
0x49: {  	_ =	shalt  }
0x4a: {  	_ =	shalt  }
0x4b: {  	_ =	shalt  }
0x4c: {  	_ =	shalt  }
0x4d: {  	_ =	shalt  }
0x4e: {  	_ =	shalt  }
0x4f: {  	_ =	shalt  }
0x50: {  	_ =	shalt  }
0x51: {  	_ =	shalt  }
0x52: {  	_ =	shalt  }
0x53: {  	_ =	shalt  }
0x54: {  	_ =	shalt  }
0x55: {  	_ =	shalt  }
0x56: {  	_ =	shalt  }
0x57: {  	_ =	shalt  }
0x58: {  	_ =	shalt  }
0x59: {  	_ =	shalt  }
0x5a: {  	_ =	shalt  }
0x5b: {  	_ =	shalt  }
0x5c: {  	_ =	shalt  }
0x5d: {  	_ =	shalt  }
0x5e: {  	_ =	shalt  }
0x5f: {  	_ =	shalt  }
0x60: {  	_ =	shalt  }
0x61: {  	_ =	shalt  }
0x62: {  	_ =	shalt  }
0x63: {  	_ =	shalt  }
0x64: {  	_ =	shalt  }
0x65: {  	_ =	shalt  }
0x66: {  	_ =	shalt  }
0x67: {  	_ =	shalt  }
0x68: {  	_ =	shalt  }
0x69: {  	_ =	shalt  }
0x6a: {  	_ =	shalt  }
0x6b: {  	_ =	shalt  }
0x6c: {  	_ =	shalt  }
0x6d: {  	_ =	shalt  }
0x6e: {  	_ =	shalt  }
0x6f: {  	_ =	shalt  }
0x70: {  	_ =	shalt  }
0x71: {  	_ =	shalt  }
0x72: {  	_ =	shalt  }
0x73: {  	_ =	shalt  }
0x74: {  	_ =	shalt  }
0x75: {  	_ =	shalt  }
0x76: {  	_ =	shalt  }
0x77: {  	_ =	shalt  }
0x78: {  	_ =	shalt  }
0x79: {  	_ =	shalt  }
0x7a: {  	_ =	shalt  }
0x7b: {  	_ =	shalt  }
0x7c: {  	_ =	shalt  }
0x7d: {  	_ =	shalt  }
0x7e: {  	_ =	shalt  }
0x7f: {  	_ =	shalt  }
0x80: {  	_ =	shalt  }
0x81: {  	_ =	shalt  }
0x82: {  	_ =	shalt  }
0x83: {  	_ =	shalt  }
0x84: {  	_ =	shalt  }
0x85: {  	_ =	shalt  }
0x86: {  	_ =	shalt  }
0x87: {  	_ =	shalt  }
.Lfunc_end0:
.L_simem_size_0:
called_computation_lowered:
.L_overlay_start_0:
0x88: {  	s2 =	sld [smem:$0x3FD9]  }
0x89: {  	s3 =	sld [smem:$0x3FFE];
	_ =	sdelay $0x1  }
0x8a: {  	s1 =	srdreg.scid  }
0x8b: {  	s0 =	sand.u32 $0x1, s1  }
0x8c: {  	s14 =	sshll.u32 s0, $0xA;
	s2 =	sadd.s32 s3, s2  }
0x8d: {  	s2 =	sadd.s32 s2, s14  }
0x8e: {  	[smem:$0x3FC1] =	sst s2  }
0x8f: {  	_ = 	snop  }
0x90: {  	s2 =	sld [smem:$0x3FD0];
	_ =	sdelay $0x2  }
0x91: {  	s15 =	simm.s32 $0xA;
	s4 =	simm.s32 $0x10  }
0x92: {  	[smem:s4], [sflag:s15] =	dma.local [hbm:s2], $0x1  }
0x93: {  	_ =	swait.eq [sflag:s15], $0x1  }
0x94: {  	[sflag:s15] =	ssyncset.done $0x0  }
0x95: {  	s16 =	sld [smem:$0x10];
	[sflag:s15] =	ssyncadd.s32 $0xFFFFFFFF  }
0x96: {  	s17 =	sld [smem:$0x11];
	(tm) =	ssettm $0x1  }
0x97: {  	s18 =	sld [smem:$0x3FFB];
	_ =	sdelay $0x3  }
0x98: {  	_ =	strace s18  }
0x99: {  	s4 =	sld [smem:$0x3FFC];
	_ =	sdelay $0x3  }
0x9a: {  	_ =	strace s4  }
0x9b: {  	s4 =	sld [smem:$0x3FFD];
	_ =	sdelay $0x3  }
0x9c: {  	_ =	strace s4  }
0x9d: {  	_ =	strace $0x8FFFFFFF  }
0x9e: {  	s19 =	sld [smem:$0x3FDB];
	_ =	sdelay $0x1  }
0x9f: {  	s5 =	simm.s32 $_scs_section_size  }
0xa0: {  	s6 =	simm.s32 $_size__tile_overlayer_lowered;
	s7 =	simm.s32 $_tile_overlayer_lowered  }
0xa1: {  	s22 =	simm.s32 $0x1BFF;
	s21 =	sshll.u32 s7, $0x1;
	s4 =	sadd.s32 s5, s19  }
0xa2: {  	s8 =	simm.s32 $0x0;
	s20 =	sshll.u32 s6, $0x1;
	s6 =	sadd.s32 s21, s4  }
0xa3: {  	[timem:s8], [sflag:s22] =	dma.local [hbm:s6], s20  }
0xa4: {  	_ =	swait.ge [sflag:s22], s20  }
0xa5: {  	s5 =	ssub.s32 $0x0, s20;
	[sflag:s22] =	ssyncset.done $0x0  }
0xa6: {  	[sflag:s22] =	ssyncadd.s32 s5;
	_ =	sdelay $0x1  }
0xa7: {  	s23 =	simm.s32 $0x1B8B  }
0xa8: {  	_ =	swait.ge [sflag:s23], $0x1  }
0xa9: {  	[sflag:s23] =	ssyncset.done $0x0  }
0xaa: {  	s25 =	simm.s32 $0x1B8E;
	s24 =	sld [smem:$0x3FFE];
	[sflag:s23] =	ssyncadd.s32 $0xFFFFFFFF  }
0xab: {  	s26 =	simm.s32 $execute0_lowered;
	[smem:$0x3FD2] =	sst s25  }
0xac: {  	s6 =	sshll.u32 s26, $0x1;
	_ =	strace $0x80000046;
	[dreg:$0x1] =	wrdreg $0xFFFFFFFF  }
0xad: {  	s28 =	simm.s32 $_size_execute0_lowered;
	s4 =	sadd.s32 s4, s6;
	[dreg:$0x0] =	wrdreg $0x0  }
0xae: {  	s6 =	sshll.u32 s28, $0x1;
	[dreg:$0x2] =	wrdreg s4  }
0xaf: {  	[dreg:$0x3] =	wrdreg s6  }
0xb0: {  	[dreg:$0x4] =	wrdreg $0xC0  }
0xb1: {  	_ =	task [dreg:s8], $0x5FFFF  }
0xb2: {  	[dreg:$0x1] =	wrdreg $0xFFFFFFFF  }
0xb3: {  	[dreg:$0x0] =	wrdreg $0x60  }
0xb4: {  	[dreg:$0x2] =	wrdreg s24  }
0xb5: {  	[dreg:$0x3] =	wrdreg s17  }
0xb6: {  	[dreg:$0x4] =	wrdreg s16  }
0xb7: {  	[dreg:$0x5] =	wrdreg $0x9  }
0xb8: {  	_ =	task.clear_ibuf [dreg:s8], $0x6FFFF;
	_ =	strace $0x90000046  }
0xb9: {  	s29 =	simm.s32 $0x9;
	_ =	strace $0x80000048  }
0xba: {  	_ =	swait.ge [sflag:s29], $0x1  }
0xbb: {  	[sflag:s29] =	ssyncadd.s32 $0xFFFFFFFF  }
0xbc: {  	_ =	strace $0x90000048  }
0xbd: {  	_ =	sfence  }
0xbe: {  	s30 =	sld [smem:$0x0];
	_ =	sdelay $0x2  }
0xbf: {  	s31 =	sshll.u32 s1, $0xD;
	s1 =	sshrl.u32 s1, $0x2  }
0xc0: {  	s3 =	sand.u32 $0x4000, s31;
	s1 =	sadd.s32 s1, s30  }
0xc1: {  	s0 =	sor.u32 s3, s0;
	s1 =	sshll.u32 s1, $0x11  }
0xc2: {  	s0 =	sor.u32 s1, s0  }
0xc3: {  	s0 =	sadd.s32 $0x8F2B, s0  }
0xc4: {  	[sflag:s0] =	ssyncadd.remote.s32 $0x1  }
0xc5: {  	_ =	sfence.sel $0xFFFF  }
0xc6: {  	[dreg:$0x0] =	wrdreg $0xFFFFFFFF;
	(pc) =	sbr.abs _section_cstart, $3  }
0xc7: {  	[dreg:$0x1] =	wrdreg $0xFFFFFFFF  }
0xc8: {  	_ =	task.clear_ibuf [dreg:s8], $0x2FFFF;
	_ =	strace $0x9FFFFFFF  }
0xc9: {  	(tm) =	ssettm $0x7FFFFFFF  }
tec
execute0_lowered:
.L_overlay_start_1:
0x0: {  	(tag) =	ssettag $0x1  }
0x1: {  	s0 =	srdreg.scid  }
0x2: {  	s7 =	sand.u32 $0x1, s0;
	s0 =	stileid.u32  }
0x3: {  	s4 =	sshll.u32 s0, $0x1;
	s5 =	ssub.s32 $0x0, s7  }
0x4: {  	p0 =	sne.s32 s4, s5  }
.Ltmp0:
0x5: {  	_ = 	snop;
	(pc) =	sbr.rel @p0 .LBB2_4-.Ltmp0, $4  }
0x6: {  	s6 =	rddreg [dreg:$0x0]  }
0x7: {  	s2 =	rddreg [dreg:$0x1]  }
0x8: {  	s3 =	rddreg [dreg:$0x2]  }
0x9: {  	s1 =	rddreg [dreg:$0x3];
	_ =	strace $0x80000047  }
0xa: {  	s5 =	simm.s32 $0x0;
	s4 =	simm.s32 $0x2;
	s9 =	ssub.s32 $0x2, s7  }
0xb: {  	[tilespmem:s5], [sflag:$0x2] =	stream.linear.gather [hbm4b:s2+s5], $0x28, $0x38;
	[tilespmem:$0x528] =	vst v63  }
0xc: {  	s6 =	sadd.s32 $0xC36A00, s6;
	s10 =	sshrl.u32 s9, $0x1;
	_ =	swait.ge [sflag:s4], $0x28  }
0xd: {  	s7 =	simm.s32 $0x28;
	s9 =	ssub.s32 s9, s10;
	[sflag:s4] =	ssyncset.done $0x0  }
0xe: {  	s8 =	simm.s32 $0x1;
	s9 =	smax.u32 s9, $0x1;
	[sflag:s4] =	ssyncadd.s32 $0xFFFFFFD8  }
0xf: {  	[tilespmem:s7], [sflag:$0x1] =	stream.indirect.gather [hbm4b:s6+s7], $0x20, s5, s7, $0xb8;
	[tilespmem:$0x528] =	vst v63  }
0x10: {  	p0 =	sne.s32 s9, $0x1;
	_ =	swait.ge [sflag:s8], $0x500  }
.Ltmp1:
0x11: {  	[sflag:s8] =	ssyncset.done $0x0;
	(pc) =	sbr.rel @!p0 .LBB2_3-.Ltmp1, $4  }
0x12: {  	[sflag:s8] =	ssyncadd.s32 $0xFFFFFB00  }
0x13: {  	[hbm4b:s3+s5] =	stream.linear.scatter [tilespmem:s7], [sflag:$0x2], $0x500, $0x38;
	[tilespmem:$0x528] =	vst v63  }
0x14: {  	_ =	swait.ge [sflag:s4], $0x500  }
0x15: {  	s9 =	sadd.s32 $0xFFFFFFFF, s9;
	[sflag:s4] =	ssyncset.done $0x0  }
.LBB2_2:
0x16: {  	p0 =	sne.s32 s9, $0x1;
	s9 =	sadd.s32 $0xFFFFFFFF, s9;
	[sflag:s4] =	ssyncadd.s32 $0xFFFFFB00  }
0x17: {  	[tilespmem:s5], [sflag:$0x2] =	stream.linear.gather [hbm4b:s2+s5], $0x28, $0x38;
	[tilespmem:$0x528] =	vst v63  }
0x18: {  	_ =	swait.ge [sflag:s4], $0x28  }
0x19: {  	[sflag:s4] =	ssyncset.done $0x0  }
0x1a: {  	[sflag:s4] =	ssyncadd.s32 $0xFFFFFFD8  }
0x1b: {  	[tilespmem:s7], [sflag:$0x1] =	stream.indirect.gather [hbm4b:s6+s7], $0x20, s5, s7, $0xb8;
	[tilespmem:$0x528] =	vst v63  }
0x1c: {  	_ =	swait.ge [sflag:s8], $0x500  }
.Ltmp2:
0x1d: {  	[sflag:s8] =	ssyncset.done $0x0;
	(pc) =	sbr.rel @p0 .LBB2_2-.Ltmp2, $4  }
0x1e: {  	[sflag:s8] =	ssyncadd.s32 $0xFFFFFB00  }
0x1f: {  	[hbm4b:s3+s5] =	stream.linear.scatter [tilespmem:s7], [sflag:$0x2], $0x500, $0x38;
	[tilespmem:$0x528] =	vst v63  }
0x20: {  	_ =	swait.ge [sflag:s4], $0x500  }
0x21: {  	[sflag:s4] =	ssyncset.done $0x0  }
.LBB2_3:
0x22: {  	[sflag:s4] =	ssyncadd.s32 $0xFFFFFB00  }
.LBB2_4:
0x23: {  	_ =	sfence.sel $0x180000  }
0x24: {  	[bflag:$0x0] =	sbarrier.arrive $0xFFFF  }
0x25: {  	p0 =	sne.s32 s0, $0x0;
	_ =	strace $0x90000047  }
0x26: {  	s0 =	sadd.s32 @!p0 $0x100000, s1;
	[bflag:$0x2] =	sbarrier.arrive $0xFFFF  }
0x27: {  	[sflag:s0] =	ssyncadd.tile.s32 @!p0 $0x1;
	_ =	shalt  }
.Lfunc_end2:
_tile_overlayer_lowered:
.L_overlay_start_2:
0x28: {  	(tag) =	ssettag $0x2  }
0x29: {  	s0 =	rddreg [dreg:$0x0];
	s2 =	stileid.u32  }
0x2a: {  	s1 =	rddreg [dreg:$0x1];
	p0 =	sne.s32 s2, $0x0  }
0x2b: {  	s3 =	rddreg [dreg:$0x2];
	[bflag:$0x3] =	sbarrier.arrive $0xFFFF;
	s2 =	simm.s32 @!p0 $0x1C02  }
0x2c: {  	[timem:s3], [sflag:s2] =	dma.local @!p0 [hbm:s0], s1  }
0x2d: {  	s0 =	simm.s32 @!p0 $0x2  }
0x2e: {  	_ =	swait.ge @!p0 [sflag:s0], s1  }
0x2f: {  	s1 =	ssub.s32 @!p0 $0x0, s1;
	[sflag:s0] =	ssyncset.done @!p0 $0x0  }
0x30: {  	[sflag:s0] =	ssyncadd.s32 @!p0 s1  }
0x31: {  	[bflag:$0x3] =	sbarrier.arrive $0xFFFF  }
0x32: {  	_ =	shalt  }

</sc_bundles>
